<compile_context>
chip_gen: v7x
topology: tpu7x:2x2x1
jax: 0.10.2.dev20260603
libtpu: 0.0.44.dev20260713+nightly
codegen_flags: <defaults>
</compile_context>

<pallas_src>
import functools

import jax
import jax.numpy as jnp
from jax import lax
from jax.experimental import pallas as pl
from jax.experimental.pallas import tpu as pltpu
from jax.experimental.pallas import tpu_sc as plsc

B = 8
N = 2048
LANES = 16
NSUB = 32

SC_B = 1
TC_B = B - SC_B

GB = 2


if SC_B:
    NTASK_SC = 2 * SC_B
    CPT = NSUB // NTASK_SC
    QPS = N // CPT

    def _sc_body(q_hbm, r_hbm, out_hbm, qx, qy, qz, rx, ry, rz, rc, om):
        wid = lax.axis_index("s") * 2 + lax.axis_index("c")
        task = wid // CPT
        qoff = (wid % CPT) * QPS

        pltpu.sync_copy(q_hbm.at[task, pl.ds(qoff, QPS)], qx)
        pltpu.sync_copy(q_hbm.at[task, pl.ds(N + qoff, QPS)], qy)
        pltpu.sync_copy(q_hbm.at[task, pl.ds(2 * N + qoff, QPS)], qz)
        pltpu.sync_copy(r_hbm.at[task, pl.ds(0, N)], rx)
        pltpu.sync_copy(r_hbm.at[task, pl.ds(N, N)], ry)
        pltpu.sync_copy(r_hbm.at[task, pl.ds(2 * N, N)], rz)

        def pre(i, _):
            xv = rx[pl.ds(i * LANES, LANES)]
            yv = ry[pl.ds(i * LANES, LANES)]
            zv = rz[pl.ds(i * LANES, LANES)]
            rc[pl.ds(i * LANES, LANES)] = xv * xv + yv * yv + zv * zv
            return 0

        lax.fori_loop(0, N // LANES, pre, 0)

        def blk_body(blk, _):
            base = blk * (GB * LANES)
            qm = []
            for g in range(GB):
                o = base + g * LANES
                qm.append((-2.0 * qx[pl.ds(o, LANES)],
                           -2.0 * qy[pl.ds(o, LANES)],
                           -2.0 * qz[pl.ds(o, LANES)]))

            rot1 = (lax.iota(jnp.int32, LANES) + 1) % LANES

            def chunk(jc, acc):
                jo = jc * LANES
                xv = rx[pl.ds(jo, LANES)]
                yv = ry[pl.ds(jo, LANES)]
                zv = rz[pl.ds(jo, LANES)]
                cv = rc[pl.ds(jo, LANES)]
                acc = list(acc)
                for k in range(LANES):
                    if k:
                        xv = jnp.take_along_axis(xv, rot1, axis=0)
                        yv = jnp.take_along_axis(yv, rot1, axis=0)
                        zv = jnp.take_along_axis(zv, rot1, axis=0)
                        cv = jnp.take_along_axis(cv, rot1, axis=0)
                    for g in range(GB):
                        gx, gy, gz = qm[g]
                        t = gx * xv + (gy * yv + (gz * zv + cv))
                        acc[g] = jnp.minimum(acc[g], t)
                return tuple(acc)

            init = tuple(
                jnp.full((LANES,), 1e30, jnp.float32) for _ in range(GB))
            acc = lax.fori_loop(0, N // LANES, chunk, init)

            for g in range(GB):
                o = base + g * LANES
                xv = qx[pl.ds(o, LANES)]
                yv = qy[pl.ds(o, LANES)]
                zv = qz[pl.ds(o, LANES)]
                qn = xv * xv + yv * yv + zv * zv
                om[pl.ds(o, LANES)] = qn + acc[g]
            return 0

        lax.fori_loop(0, QPS // (GB * LANES), blk_body, 0)

        pltpu.sync_copy(om, out_hbm.at[wid])

    _sc_chamfer = functools.partial(
        pl.kernel,
        out_type=jax.ShapeDtypeStruct((NSUB, QPS), jnp.float32),
        mesh=plsc.VectorSubcoreMesh(core_axis_name="c", subcore_axis_name="s"),
        scratch_types=[
            pltpu.VMEM((QPS,), jnp.float32),
            pltpu.VMEM((QPS,), jnp.float32),
            pltpu.VMEM((QPS,), jnp.float32),
            pltpu.VMEM((N,), jnp.float32),
            pltpu.VMEM((N,), jnp.float32),
            pltpu.VMEM((N,), jnp.float32),
            pltpu.VMEM((N,), jnp.float32),
            pltpu.VMEM((QPS,), jnp.float32),
        ],
    )(_sc_body)


def _tc_body(q_ref, rt_ref, o_ref):
    b = pl.program_id(0)
    q = q_ref[0]
    rt = rt_ref[0]
    dx = q[:, 0:1] - rt[0:1, :]
    dy = q[:, 1:2] - rt[1:2, :]
    dz = q[:, 2:3] - rt[2:3, :]
    d = dx * dx + dy * dy + dz * dz
    m1 = jnp.min(d, axis=1)
    m2 = jnp.min(d, axis=0)
    s = (jnp.sum(jnp.sqrt(jnp.maximum(m1, 0.0)))
         + jnp.sum(jnp.sqrt(jnp.maximum(m2, 0.0))))

    @pl.when(b == 0)
    def _():
        o_ref[0, 0] = 0.0

    o_ref[0, 0] += s


if TC_B:
    _tc_pair = pl.pallas_call(
        _tc_body,
        grid=(TC_B,),
        in_specs=[
            pl.BlockSpec((1, N, 3), lambda b: (b, 0, 0)),
            pl.BlockSpec((1, 3, N), lambda b: (b, 0, 0)),
        ],
        out_specs=pl.BlockSpec(memory_space=pltpu.SMEM),
        out_shape=jax.ShapeDtypeStruct((1, 1), jnp.float32),
    )



def _sc_finish(m_ref, o_ref):
    o_ref[0, 0] = jnp.sum(jnp.sqrt(jnp.maximum(m_ref[...], 0.0)))


def kernel(pcs1, pcs2):
    total = 0.0
    if SC_B:
        p1t = pcs1[TC_B:].transpose(0, 2, 1)
        p2t = pcs2[TC_B:].transpose(0, 2, 1)
        q_all = jnp.concatenate([p1t, p2t], axis=0).reshape(NTASK_SC, 3 * N)
        r_all = jnp.concatenate([p2t, p1t], axis=0).reshape(NTASK_SC, 3 * N)
        sc_mins = _sc_chamfer(q_all, r_all)
    if TC_B:
        rtp = pcs2[:TC_B].transpose(0, 2, 1)
        total = total + _tc_pair(pcs1[:TC_B], rtp)[0, 0]
    if SC_B:
        sc_s = pl.pallas_call(
            _sc_finish,
            out_shape=jax.ShapeDtypeStruct((1, 1), jnp.float32),
            in_specs=[pl.BlockSpec((NSUB, QPS), lambda: (0, 0))],
            out_specs=pl.BlockSpec(memory_space=pltpu.SMEM),
        )(sc_mins)
        total = total + sc_s[0, 0]
    return total * (1.0 / (2 * B * N))

# --- scband reference (transcript-rebuilt; emitter-appended) ---
"""Pipeline reference for scband-chamfer-distance-38843684225041 (READ-ONLY COPY).

The authoritative reference and input builder live on the scoring server;
editing this copy changes nothing except your own understanding.
"""

import jax, jax.numpy as jnp
import numpy as np


def setup_inputs(seed: int = 0) -> dict:
    key = jax.random.key(seed)
    k1, k2 = jax.random.split(key)
    pcs1 = jax.random.normal(k1, (8, 2048, 3), dtype=jnp.float32)
    pcs2 = jax.random.normal(k2, (8, 2048, 3), dtype=jnp.float32)
    return {"pcs1": pcs1, "pcs2": pcs2}


def reference(pcs1, pcs2):
    # pairwise squared distances: (B, N, M)
    diff = pcs1[:, :, None, :] - pcs2[:, None, :, :]
    d = jnp.sum(diff * diff, axis=-1)
    # nearest-neighbor squared distances in each direction
    dist1 = jnp.min(d, axis=2)  # (B, N): for each point in pcs1, nn in pcs2
    dist2 = jnp.min(d, axis=1)  # (B, M): for each point in pcs2, nn in pcs1
    dist1 = jnp.mean(jnp.sqrt(dist1))
    dist2 = jnp.mean(jnp.sqrt(dist2))
    return (dist1 + dist2) / 2

if __name__ == "__main__":
    import jax
    _d = setup_inputs()
    print(jax.jit(kernel)(*tuple(_d.values())))

</pallas_src>

<mosaic_0001>
#map = affine_map<(d0, d1) -> (0, 0)>
module attributes {stable_mosaic.version = 14 : i64} {
  func.func @_sc_body(%arg0: i32, %arg1: i32, %arg2: memref<2x6144xf32, #tpu.memory_space<hbm>>, %arg3: memref<2x6144xf32, #tpu.memory_space<hbm>>, %arg4: memref<32x128xf32, #tpu.memory_space<hbm>>, %arg5: memref<128xf32, #tpu.memory_space<vmem>>, %arg6: memref<128xf32, #tpu.memory_space<vmem>>, %arg7: memref<128xf32, #tpu.memory_space<vmem>>, %arg8: memref<2048xf32, #tpu.memory_space<vmem>>, %arg9: memref<2048xf32, #tpu.memory_space<vmem>>, %arg10: memref<2048xf32, #tpu.memory_space<vmem>>, %arg11: memref<2048xf32, #tpu.memory_space<vmem>>, %arg12: memref<128xf32, #tpu.memory_space<vmem>>) attributes {dimension_semantics = [#tpu.dimension_semantics<core_parallel>, #tpu.dimension_semantics<subcore_parallel>], iteration_bounds = array<i64: 2, 16>, scalar_prefetch = 0 : i64, scratch_operands = 8 : i64, tpu.core_type = #tpu.core_type<sc_vector_subcore>, window_params = [{transform_indices = #map}, {transform_indices = #map}, {transform_indices = #map}]} {
    %mul3A = arith.constant 2 : i32
    %mul3A_0 = arith.muli %arg1, %mul3A : i32
    %add3A = arith.addi %mul3A_0, %arg0 : i32
    %jit3A = arith.constant 16 : i32
    %div3A = arith.divsi %add3A, %jit3A : i32
    %sign3A = arith.constant 0 : i32
    %sign3A_1 = arith.cmpi sgt, %add3A, %sign3A : i32
    %sign3A_2 = arith.extui %sign3A_1 : i1 to i32
    %sign3A_3 = arith.constant 0 : i32
    %sign3A_4 = arith.cmpi slt, %add3A, %sign3A_3 : i32
    %sign3A_5 = arith.extui %sign3A_4 : i1 to i32
    %sign3A_6 = arith.subi %sign3A_2, %sign3A_5 : i32
    %sign3A_7 = arith.constant 0 : i32
    %sign3A_8 = arith.cmpi sgt, %jit3A, %sign3A_7 : i32
    %sign3A_9 = arith.extui %sign3A_8 : i1 to i32
    %sign3A_10 = arith.constant 0 : i32
    %sign3A_11 = arith.cmpi slt, %jit3A, %sign3A_10 : i32
    %sign3A_12 = arith.extui %sign3A_11 : i1 to i32
    %sign3A_13 = arith.subi %sign3A_9, %sign3A_12 : i32
    %ne3A = arith.cmpi ne, %sign3A_6, %sign3A_13 : i32
    %rem3A = arith.remsi %add3A, %jit3A : i32
    %ne3A_14 = arith.constant 0 : i32
    %ne3A_15 = arith.cmpi ne, %rem3A, %ne3A_14 : i32
    %and3A = arith.andi %ne3A, %ne3A_15 : i1
    %sub3A = arith.constant 1 : i32
    %sub3A_16 = arith.subi %div3A, %sub3A : i32
    %select_n3A = arith.select %and3A, %sub3A_16, %div3A : i32
    %jit3A_17 = arith.constant 16 : i32
    %eq3A = arith.constant 0 : i32
    %eq3A_18 = arith.cmpi eq, %jit3A_17, %eq3A : i32
    %jit3A_19 = arith.constant 1 : i32
    %select_n3A_20 = arith.select %eq3A_18, %jit3A_19, %jit3A_17 : i32
    %rem3A_21 = arith.remsi %add3A, %select_n3A_20 : i32
    %ne3A_22 = arith.constant 0 : i32
    %ne3A_23 = arith.cmpi ne, %rem3A_21, %ne3A_22 : i32
    %lt3A = arith.constant 0 : i32
    %lt3A_24 = arith.cmpi slt, %rem3A_21, %lt3A : i32
    %lt3A_25 = arith.constant 0 : i32
    %lt3A_26 = arith.cmpi slt, %select_n3A_20, %lt3A_25 : i32
    %ne3A_27 = arith.xori %lt3A_24, %lt3A_26 : i1
    %and3A_28 = arith.andi %ne3A_27, %ne3A_23 : i1
    %add3A_29 = arith.addi %rem3A_21, %select_n3A_20 : i32
    %select_n3A_30 = arith.select %and3A_28, %add3A_29, %rem3A_21 : i32
    %mul3A_31 = arith.constant 128 : i32
    %mul3A_32 = arith.muli %select_n3A_30, %mul3A_31 : i32
    "tpu.region"() ({
      %run_scoped3A = tpu.sem_alloc : memref<!tpu.dma_semaphore, #tpu.memory_space<semaphore_mem>>
      %dma_start3A = tpu.memref_slice %arg2[%select_n3A, %mul3A_32] : memref<2x6144xf32, #tpu.memory_space<hbm>> -> memref<1x128xf32, #tpu.memory_space<hbm>>
      %dma_start3A_50 = tpu.memref_squeeze %dma_start3A : memref<1x128xf32, #tpu.memory_space<hbm>> -> memref<128xf32, #tpu.memory_space<hbm>>
      %dma_start3A_51 = tpu.memref_slice %arg2[%select_n3A, %mul3A_32] : memref<2x6144xf32, #tpu.memory_space<hbm>> -> memref<1x128xf32, #tpu.memory_space<hbm>>
      %dma_start3A_52 = tpu.memref_squeeze %dma_start3A_51 : memref<1x128xf32, #tpu.memory_space<hbm>> -> memref<128xf32, #tpu.memory_space<hbm>>
      tpu.enqueue_dma source(%dma_start3A_52 : memref<128xf32, #tpu.memory_space<hbm>>) target(%arg5 : memref<128xf32, #tpu.memory_space<vmem>>) target_semaphore(%run_scoped3A : memref<!tpu.dma_semaphore, #tpu.memory_space<semaphore_mem>>)
      %dma_wait3A = tpu.memref_slice %arg2[%select_n3A, %mul3A_32] : memref<2x6144xf32, #tpu.memory_space<hbm>> -> memref<1x128xf32, #tpu.memory_space<hbm>>
      %dma_wait3A_53 = tpu.memref_squeeze %dma_wait3A : memref<1x128xf32, #tpu.memory_space<hbm>> -> memref<128xf32, #tpu.memory_space<hbm>>
      %dma_wait3A_54 = tpu.memref_slice %arg2[%select_n3A, %mul3A_32] : memref<2x6144xf32, #tpu.memory_space<hbm>> -> memref<1x128xf32, #tpu.memory_space<hbm>>
      %dma_wait3A_55 = tpu.memref_squeeze %dma_wait3A_54 : memref<1x128xf32, #tpu.memory_space<hbm>> -> memref<128xf32, #tpu.memory_space<hbm>>
      tpu.wait_dma2 semaphore(%run_scoped3A : memref<!tpu.dma_semaphore, #tpu.memory_space<semaphore_mem>>) src(%dma_wait3A_55 : memref<128xf32, #tpu.memory_space<hbm>>) dst(%arg5 : memref<128xf32, #tpu.memory_space<vmem>>)
      tpu.yield
    }) : () -> ()
    %add3A_33 = arith.constant 2048 : i32
    %add3A_34 = arith.addi %add3A_33, %mul3A_32 : i32
    "tpu.region"() ({
      %run_scoped3A = tpu.sem_alloc : memref<!tpu.dma_semaphore, #tpu.memory_space<semaphore_mem>>
      %dma_start3A = tpu.memref_slice %arg2[%select_n3A, %add3A_34] : memref<2x6144xf32, #tpu.memory_space<hbm>> -> memref<1x128xf32, #tpu.memory_space<hbm>>
      %dma_start3A_50 = tpu.memref_squeeze %dma_start3A : memref<1x128xf32, #tpu.memory_space<hbm>> -> memref<128xf32, #tpu.memory_space<hbm>>
      %dma_start3A_51 = tpu.memref_slice %arg2[%select_n3A, %add3A_34] : memref<2x6144xf32, #tpu.memory_space<hbm>> -> memref<1x128xf32, #tpu.memory_space<hbm>>
      %dma_start3A_52 = tpu.memref_squeeze %dma_start3A_51 : memref<1x128xf32, #tpu.memory_space<hbm>> -> memref<128xf32, #tpu.memory_space<hbm>>
      tpu.enqueue_dma source(%dma_start3A_52 : memref<128xf32, #tpu.memory_space<hbm>>) target(%arg6 : memref<128xf32, #tpu.memory_space<vmem>>) target_semaphore(%run_scoped3A : memref<!tpu.dma_semaphore, #tpu.memory_space<semaphore_mem>>)
      %dma_wait3A = tpu.memref_slice %arg2[%select_n3A, %add3A_34] : memref<2x6144xf32, #tpu.memory_space<hbm>> -> memref<1x128xf32, #tpu.memory_space<hbm>>
      %dma_wait3A_53 = tpu.memref_squeeze %dma_wait3A : memref<1x128xf32, #tpu.memory_space<hbm>> -> memref<128xf32, #tpu.memory_space<hbm>>
      %dma_wait3A_54 = tpu.memref_slice %arg2[%select_n3A, %add3A_34] : memref<2x6144xf32, #tpu.memory_space<hbm>> -> memref<1x128xf32, #tpu.memory_space<hbm>>
      %dma_wait3A_55 = tpu.memref_squeeze %dma_wait3A_54 : memref<1x128xf32, #tpu.memory_space<hbm>> -> memref<128xf32, #tpu.memory_space<hbm>>
      tpu.wait_dma2 semaphore(%run_scoped3A : memref<!tpu.dma_semaphore, #tpu.memory_space<semaphore_mem>>) src(%dma_wait3A_55 : memref<128xf32, #tpu.memory_space<hbm>>) dst(%arg6 : memref<128xf32, #tpu.memory_space<vmem>>)
      tpu.yield
    }) : () -> ()
    %add3A_35 = arith.constant 4096 : i32
    %add3A_36 = arith.addi %add3A_35, %mul3A_32 : i32
    "tpu.region"() ({
      %run_scoped3A = tpu.sem_alloc : memref<!tpu.dma_semaphore, #tpu.memory_space<semaphore_mem>>
      %dma_start3A = tpu.memref_slice %arg2[%select_n3A, %add3A_36] : memref<2x6144xf32, #tpu.memory_space<hbm>> -> memref<1x128xf32, #tpu.memory_space<hbm>>
      %dma_start3A_50 = tpu.memref_squeeze %dma_start3A : memref<1x128xf32, #tpu.memory_space<hbm>> -> memref<128xf32, #tpu.memory_space<hbm>>
      %dma_start3A_51 = tpu.memref_slice %arg2[%select_n3A, %add3A_36] : memref<2x6144xf32, #tpu.memory_space<hbm>> -> memref<1x128xf32, #tpu.memory_space<hbm>>
      %dma_start3A_52 = tpu.memref_squeeze %dma_start3A_51 : memref<1x128xf32, #tpu.memory_space<hbm>> -> memref<128xf32, #tpu.memory_space<hbm>>
      tpu.enqueue_dma source(%dma_start3A_52 : memref<128xf32, #tpu.memory_space<hbm>>) target(%arg7 : memref<128xf32, #tpu.memory_space<vmem>>) target_semaphore(%run_scoped3A : memref<!tpu.dma_semaphore, #tpu.memory_space<semaphore_mem>>)
      %dma_wait3A = tpu.memref_slice %arg2[%select_n3A, %add3A_36] : memref<2x6144xf32, #tpu.memory_space<hbm>> -> memref<1x128xf32, #tpu.memory_space<hbm>>
      %dma_wait3A_53 = tpu.memref_squeeze %dma_wait3A : memref<1x128xf32, #tpu.memory_space<hbm>> -> memref<128xf32, #tpu.memory_space<hbm>>
      %dma_wait3A_54 = tpu.memref_slice %arg2[%select_n3A, %add3A_36] : memref<2x6144xf32, #tpu.memory_space<hbm>> -> memref<1x128xf32, #tpu.memory_space<hbm>>
      %dma_wait3A_55 = tpu.memref_squeeze %dma_wait3A_54 : memref<1x128xf32, #tpu.memory_space<hbm>> -> memref<128xf32, #tpu.memory_space<hbm>>
      tpu.wait_dma2 semaphore(%run_scoped3A : memref<!tpu.dma_semaphore, #tpu.memory_space<semaphore_mem>>) src(%dma_wait3A_55 : memref<128xf32, #tpu.memory_space<hbm>>) dst(%arg7 : memref<128xf32, #tpu.memory_space<vmem>>)
      tpu.yield
    }) : () -> ()
    "tpu.region"() ({
      %run_scoped3A = tpu.sem_alloc : memref<!tpu.dma_semaphore, #tpu.memory_space<semaphore_mem>>
      %dma_start3A = arith.constant 0 : i32
      %dma_start3A_50 = tpu.memref_slice %arg3[%select_n3A, %dma_start3A] : memref<2x6144xf32, #tpu.memory_space<hbm>> -> memref<1x2048xf32, #tpu.memory_space<hbm>>
      %dma_start3A_51 = tpu.memref_squeeze %dma_start3A_50 : memref<1x2048xf32, #tpu.memory_space<hbm>> -> memref<2048xf32, #tpu.memory_space<hbm>>
      %dma_start3A_52 = arith.constant 0 : i32
      %dma_start3A_53 = tpu.memref_slice %arg3[%select_n3A, %dma_start3A_52] : memref<2x6144xf32, #tpu.memory_space<hbm>> -> memref<1x2048xf32, #tpu.memory_space<hbm>>
      %dma_start3A_54 = tpu.memref_squeeze %dma_start3A_53 : memref<1x2048xf32, #tpu.memory_space<hbm>> -> memref<2048xf32, #tpu.memory_space<hbm>>
      tpu.enqueue_dma source(%dma_start3A_54 : memref<2048xf32, #tpu.memory_space<hbm>>) target(%arg8 : memref<2048xf32, #tpu.memory_space<vmem>>) target_semaphore(%run_scoped3A : memref<!tpu.dma_semaphore, #tpu.memory_space<semaphore_mem>>)
      %dma_wait3A = arith.constant 0 : i32
      %dma_wait3A_55 = tpu.memref_slice %arg3[%select_n3A, %dma_wait3A] : memref<2x6144xf32, #tpu.memory_space<hbm>> -> memref<1x2048xf32, #tpu.memory_space<hbm>>
      %dma_wait3A_56 = tpu.memref_squeeze %dma_wait3A_55 : memref<1x2048xf32, #tpu.memory_space<hbm>> -> memref<2048xf32, #tpu.memory_space<hbm>>
      %dma_wait3A_57 = arith.constant 0 : i32
      %dma_wait3A_58 = tpu.memref_slice %arg3[%select_n3A, %dma_wait3A_57] : memref<2x6144xf32, #tpu.memory_space<hbm>> -> memref<1x2048xf32, #tpu.memory_space<hbm>>
      %dma_wait3A_59 = tpu.memref_squeeze %dma_wait3A_58 : memref<1x2048xf32, #tpu.memory_space<hbm>> -> memref<2048xf32, #tpu.memory_space<hbm>>
      tpu.wait_dma2 semaphore(%run_scoped3A : memref<!tpu.dma_semaphore, #tpu.memory_space<semaphore_mem>>) src(%dma_wait3A_59 : memref<2048xf32, #tpu.memory_space<hbm>>) dst(%arg8 : memref<2048xf32, #tpu.memory_space<vmem>>)
      tpu.yield
    }) : () -> ()
    "tpu.region"() ({
      %run_scoped3A = tpu.sem_alloc : memref<!tpu.dma_semaphore, #tpu.memory_space<semaphore_mem>>
      %dma_start3A = arith.constant 2048 : i32
      %dma_start3A_50 = tpu.memref_slice %arg3[%select_n3A, %dma_start3A] : memref<2x6144xf32, #tpu.memory_space<hbm>> -> memref<1x2048xf32, #tpu.memory_space<hbm>>
      %dma_start3A_51 = tpu.memref_squeeze %dma_start3A_50 : memref<1x2048xf32, #tpu.memory_space<hbm>> -> memref<2048xf32, #tpu.memory_space<hbm>>
      %dma_start3A_52 = arith.constant 2048 : i32
      %dma_start3A_53 = tpu.memref_slice %arg3[%select_n3A, %dma_start3A_52] : memref<2x6144xf32, #tpu.memory_space<hbm>> -> memref<1x2048xf32, #tpu.memory_space<hbm>>
      %dma_start3A_54 = tpu.memref_squeeze %dma_start3A_53 : memref<1x2048xf32, #tpu.memory_space<hbm>> -> memref<2048xf32, #tpu.memory_space<hbm>>
      tpu.enqueue_dma source(%dma_start3A_54 : memref<2048xf32, #tpu.memory_space<hbm>>) target(%arg9 : memref<2048xf32, #tpu.memory_space<vmem>>) target_semaphore(%run_scoped3A : memref<!tpu.dma_semaphore, #tpu.memory_space<semaphore_mem>>)
      %dma_wait3A = arith.constant 2048 : i32
      %dma_wait3A_55 = tpu.memref_slice %arg3[%select_n3A, %dma_wait3A] : memref<2x6144xf32, #tpu.memory_space<hbm>> -> memref<1x2048xf32, #tpu.memory_space<hbm>>
      %dma_wait3A_56 = tpu.memref_squeeze %dma_wait3A_55 : memref<1x2048xf32, #tpu.memory_space<hbm>> -> memref<2048xf32, #tpu.memory_space<hbm>>
      %dma_wait3A_57 = arith.constant 2048 : i32
      %dma_wait3A_58 = tpu.memref_slice %arg3[%select_n3A, %dma_wait3A_57] : memref<2x6144xf32, #tpu.memory_space<hbm>> -> memref<1x2048xf32, #tpu.memory_space<hbm>>
      %dma_wait3A_59 = tpu.memref_squeeze %dma_wait3A_58 : memref<1x2048xf32, #tpu.memory_space<hbm>> -> memref<2048xf32, #tpu.memory_space<hbm>>
      tpu.wait_dma2 semaphore(%run_scoped3A : memref<!tpu.dma_semaphore, #tpu.memory_space<semaphore_mem>>) src(%dma_wait3A_59 : memref<2048xf32, #tpu.memory_space<hbm>>) dst(%arg9 : memref<2048xf32, #tpu.memory_space<vmem>>)
      tpu.yield
    }) : () -> ()
    "tpu.region"() ({
      %run_scoped3A = tpu.sem_alloc : memref<!tpu.dma_semaphore, #tpu.memory_space<semaphore_mem>>
      %dma_start3A = arith.constant 4096 : i32
      %dma_start3A_50 = tpu.memref_slice %arg3[%select_n3A, %dma_start3A] : memref<2x6144xf32, #tpu.memory_space<hbm>> -> memref<1x2048xf32, #tpu.memory_space<hbm>>
      %dma_start3A_51 = tpu.memref_squeeze %dma_start3A_50 : memref<1x2048xf32, #tpu.memory_space<hbm>> -> memref<2048xf32, #tpu.memory_space<hbm>>
      %dma_start3A_52 = arith.constant 4096 : i32
      %dma_start3A_53 = tpu.memref_slice %arg3[%select_n3A, %dma_start3A_52] : memref<2x6144xf32, #tpu.memory_space<hbm>> -> memref<1x2048xf32, #tpu.memory_space<hbm>>
      %dma_start3A_54 = tpu.memref_squeeze %dma_start3A_53 : memref<1x2048xf32, #tpu.memory_space<hbm>> -> memref<2048xf32, #tpu.memory_space<hbm>>
      tpu.enqueue_dma source(%dma_start3A_54 : memref<2048xf32, #tpu.memory_space<hbm>>) target(%arg10 : memref<2048xf32, #tpu.memory_space<vmem>>) target_semaphore(%run_scoped3A : memref<!tpu.dma_semaphore, #tpu.memory_space<semaphore_mem>>)
      %dma_wait3A = arith.constant 4096 : i32
      %dma_wait3A_55 = tpu.memref_slice %arg3[%select_n3A, %dma_wait3A] : memref<2x6144xf32, #tpu.memory_space<hbm>> -> memref<1x2048xf32, #tpu.memory_space<hbm>>
      %dma_wait3A_56 = tpu.memref_squeeze %dma_wait3A_55 : memref<1x2048xf32, #tpu.memory_space<hbm>> -> memref<2048xf32, #tpu.memory_space<hbm>>
      %dma_wait3A_57 = arith.constant 4096 : i32
      %dma_wait3A_58 = tpu.memref_slice %arg3[%select_n3A, %dma_wait3A_57] : memref<2x6144xf32, #tpu.memory_space<hbm>> -> memref<1x2048xf32, #tpu.memory_space<hbm>>
      %dma_wait3A_59 = tpu.memref_squeeze %dma_wait3A_58 : memref<1x2048xf32, #tpu.memory_space<hbm>> -> memref<2048xf32, #tpu.memory_space<hbm>>
      tpu.wait_dma2 semaphore(%run_scoped3A : memref<!tpu.dma_semaphore, #tpu.memory_space<semaphore_mem>>) src(%dma_wait3A_59 : memref<2048xf32, #tpu.memory_space<hbm>>) dst(%arg10 : memref<2048xf32, #tpu.memory_space<vmem>>)
      tpu.yield
    }) : () -> ()
    %scan3A = arith.constant 0 : i32
    %scan3A_37 = arith.constant 0 : i32
    %scan3A_38 = arith.constant 128 : i32
    %scan3A_39 = arith.addi %scan3A_37, %scan3A_38 : i32
    %scan3A_40 = arith.constant 1 : i32
    %scan3A_41 = scf.for %scan3A_50 = %scan3A_37 to %scan3A_39 step %scan3A_40 iter_args(%scan3A_51 = %scan3A) -> (i32)  : i32 {
      %mul3A_52 = arith.constant 16 : i32
      %mul3A_53 = arith.muli %scan3A_50, %mul3A_52 : i32
      %get3A = arith.index_cast %mul3A_53 : i32 to index
      %get3A_54 = tpu.vector_load %arg8[%get3A] {strides = array<i32>} : memref<2048xf32, #tpu.memory_space<vmem>>, vector<16xf32>,
      %get3A_55 = vector.shape_cast %get3A_54 : vector<16xf32> to vector<16xf32>
      %mul3A_56 = arith.constant 16 : i32
      %mul3A_57 = arith.muli %scan3A_50, %mul3A_56 : i32
      %get3A_58 = arith.index_cast %mul3A_57 : i32 to index
      %get3A_59 = tpu.vector_load %arg9[%get3A_58] {strides = array<i32>} : memref<2048xf32, #tpu.memory_space<vmem>>, vector<16xf32>,
      %get3A_60 = vector.shape_cast %get3A_59 : vector<16xf32> to vector<16xf32>
      %mul3A_61 = arith.constant 16 : i32
      %mul3A_62 = arith.muli %scan3A_50, %mul3A_61 : i32
      %get3A_63 = arith.index_cast %mul3A_62 : i32 to index
      %get3A_64 = tpu.vector_load %arg10[%get3A_63] {strides = array<i32>} : memref<2048xf32, #tpu.memory_space<vmem>>, vector<16xf32>,
      %get3A_65 = vector.shape_cast %get3A_64 : vector<16xf32> to vector<16xf32>
      %mul3A_66 = arith.mulf %get3A_55, %get3A_55 : vector<16xf32>
      %mul3A_67 = arith.mulf %get3A_60, %get3A_60 : vector<16xf32>
      %add3A_68 = arith.addf %mul3A_66, %mul3A_67 : vector<16xf32>
      %mul3A_69 = arith.mulf %get3A_65, %get3A_65 : vector<16xf32>
      %add3A_70 = arith.addf %add3A_68, %mul3A_69 : vector<16xf32>
      %mul3A_71 = arith.constant 16 : i32
      %mul3A_72 = arith.muli %scan3A_50, %mul3A_71 : i32
      %swap3A = arith.index_cast %mul3A_72 : i32 to index
      %swap3A_73 = tpu.vector_load %arg11[%swap3A] {strides = array<i32>} : memref<2048xf32, #tpu.memory_space<vmem>>, vector<16xf32>,
      %swap3A_74 = vector.shape_cast %swap3A_73 : vector<16xf32> to vector<16xf32>
      %swap3A_75 = vector.shape_cast %add3A_70 : vector<16xf32> to vector<16xf32>
      tpu.vector_store %arg11[%swap3A], %swap3A_75 {strides = array<i32>} : memref<2048xf32, #tpu.memory_space<vmem>>, vector<16xf32>,
      %scan3A_76 = arith.constant 0 : i32
      scf.yield %scan3A_76 : i32
    }
    %scan3A_42 = arith.constant 128 : i32
    %scan3A_43 = arith.constant 0 : i32
    %scan3A_44 = arith.constant 0 : i32
    %scan3A_45 = arith.constant 4 : i32
    %scan3A_46 = arith.addi %scan3A_44, %scan3A_45 : i32
    %scan3A_47 = arith.constant 1 : i32
    %scan3A_48 = scf.for %scan3A_50 = %scan3A_44 to %scan3A_46 step %scan3A_47 iter_args(%scan3A_51 = %scan3A_43) -> (i32)  : i32 {
      %mul3A_52 = arith.constant 32 : i32
      %mul3A_53 = arith.muli %scan3A_50, %mul3A_52 : i32
      %add3A_54 = arith.constant 0 : i32
      %add3A_55 = arith.addi %mul3A_53, %add3A_54 : i32
      %get3A = arith.index_cast %add3A_55 : i32 to index
      %get3A_56 = tpu.vector_load %arg5[%get3A] {strides = array<i32>} : memref<128xf32, #tpu.memory_space<vmem>>, vector<16xf32>,
      %get3A_57 = vector.shape_cast %get3A_56 : vector<16xf32> to vector<16xf32>
      %mul3A_58 = arith.constant -2.000000e+00 : f32
      %mul3A_59 = vector.broadcast %mul3A_58 : f32 to vector<16xf32>
      %mul3A_60 = arith.mulf %mul3A_59, %get3A_57 : vector<16xf32>
      %get3A_61 = arith.index_cast %add3A_55 : i32 to index
      %get3A_62 = tpu.vector_load %arg6[%get3A_61] {strides = array<i32>} : memref<128xf32, #tpu.memory_space<vmem>>, vector<16xf32>,
      %get3A_63 = vector.shape_cast %get3A_62 : vector<16xf32> to vector<16xf32>
      %mul3A_64 = arith.constant -2.000000e+00 : f32
      %mul3A_65 = vector.broadcast %mul3A_64 : f32 to vector<16xf32>
      %mul3A_66 = arith.mulf %mul3A_65, %get3A_63 : vector<16xf32>
      %get3A_67 = arith.index_cast %add3A_55 : i32 to index
      %get3A_68 = tpu.vector_load %arg7[%get3A_67] {strides = array<i32>} : memref<128xf32, #tpu.memory_space<vmem>>, vector<16xf32>,
      %get3A_69 = vector.shape_cast %get3A_68 : vector<16xf32> to vector<16xf32>
      %mul3A_70 = arith.constant -2.000000e+00 : f32
      %mul3A_71 = vector.broadcast %mul3A_70 : f32 to vector<16xf32>
      %mul3A_72 = arith.mulf %mul3A_71, %get3A_69 : vector<16xf32>
      %add3A_73 = arith.constant 16 : i32
      %add3A_74 = arith.addi %mul3A_53, %add3A_73 : i32
      %get3A_75 = arith.index_cast %add3A_74 : i32 to index
      %get3A_76 = tpu.vector_load %arg5[%get3A_75] {strides = array<i32>} : memref<128xf32, #tpu.memory_space<vmem>>, vector<16xf32>,
      %get3A_77 = vector.shape_cast %get3A_76 : vector<16xf32> to vector<16xf32>
      %mul3A_78 = arith.constant -2.000000e+00 : f32
      %mul3A_79 = vector.broadcast %mul3A_78 : f32 to vector<16xf32>
      %mul3A_80 = arith.mulf %mul3A_79, %get3A_77 : vector<16xf32>
      %get3A_81 = arith.index_cast %add3A_74 : i32 to index
      %get3A_82 = tpu.vector_load %arg6[%get3A_81] {strides = array<i32>} : memref<128xf32, #tpu.memory_space<vmem>>, vector<16xf32>,
      %get3A_83 = vector.shape_cast %get3A_82 : vector<16xf32> to vector<16xf32>
      %mul3A_84 = arith.constant -2.000000e+00 : f32
      %mul3A_85 = vector.broadcast %mul3A_84 : f32 to vector<16xf32>
      %mul3A_86 = arith.mulf %mul3A_85, %get3A_83 : vector<16xf32>
      %get3A_87 = arith.index_cast %add3A_74 : i32 to index
      %get3A_88 = tpu.vector_load %arg7[%get3A_87] {strides = array<i32>} : memref<128xf32, #tpu.memory_space<vmem>>, vector<16xf32>,
      %get3A_89 = vector.shape_cast %get3A_88 : vector<16xf32> to vector<16xf32>
      %mul3A_90 = arith.constant -2.000000e+00 : f32
      %mul3A_91 = vector.broadcast %mul3A_90 : f32 to vector<16xf32>
      %mul3A_92 = arith.mulf %mul3A_91, %get3A_89 : vector<16xf32>
      %iota3A = tpu.iota {dimensions = array<i32: 0>} : vector<16xi32>
      %add3A_93 = arith.constant 1 : i32
      %add3A_94 = vector.broadcast %add3A_93 : i32 to vector<16xi32>
      %add3A_95 = arith.addi %iota3A, %add3A_94 : vector<16xi32>
      %jit3A_96 = arith.constant 16 : i32
      %eq3A_97 = arith.constant 0 : i32
      %eq3A_98 = arith.cmpi eq, %jit3A_96, %eq3A_97 : i32
      %jit3A_99 = arith.constant 1 : i32
      %select_n3A_100 = arith.select %eq3A_98, %jit3A_99, %jit3A_96 : i32
      %rem3A_101 = vector.broadcast %select_n3A_100 : i32 to vector<16xi32>
      %rem3A_102 = arith.remsi %add3A_95, %rem3A_101 : vector<16xi32>
      %ne3A_103 = arith.constant 0 : i32
      %ne3A_104 = vector.broadcast %ne3A_103 : i32 to vector<16xi32>
      %ne3A_105 = arith.cmpi ne, %rem3A_102, %ne3A_104 : vector<16xi32>
      %lt3A_106 = arith.constant 0 : i32
      %lt3A_107 = vector.broadcast %lt3A_106 : i32 to vector<16xi32>
      %lt3A_108 = arith.cmpi slt, %rem3A_102, %lt3A_107 : vector<16xi32>
      %lt3A_109 = arith.constant 0 : i32
      %lt3A_110 = arith.cmpi slt, %select_n3A_100, %lt3A_109 : i32
      %ne3A_111 = vector.broadcast %lt3A_110 : i1 to vector<16xi1>
      %ne3A_112 = vector.broadcast %ne3A_111 : vector<16xi1> to vector<16xi1>
      %ne3A_113 = arith.xori %lt3A_108, %ne3A_112 : vector<16xi1>
      %and3A_114 = arith.andi %ne3A_113, %ne3A_105 : vector<16xi1>
      %add3A_115 = vector.broadcast %select_n3A_100 : i32 to vector<16xi32>
      %add3A_116 = arith.addi %rem3A_102, %add3A_115 : vector<16xi32>
      %select_n3A_117 = arith.select %and3A_114, %add3A_116, %rem3A_102 : vector<16xi1>, vector<16xi32>
      %broadcast_in_dim3A = arith.constant 1.000000e+30 : f32
      %broadcast_in_dim3A_118 = vector.broadcast %broadcast_in_dim3A : f32 to vector<16xf32>
      %broadcast_in_dim3A_119 = arith.constant 1.000000e+30 : f32
      %broadcast_in_dim3A_120 = vector.broadcast %broadcast_in_dim3A_119 : f32 to vector<16xf32>
      %scan3A_121 = arith.constant 0 : i32
      %scan3A_122 = arith.constant 128 : i32
      %scan3A_123 = arith.addi %scan3A_121, %scan3A_122 : i32
      %scan3A_124 = arith.constant 1 : i32
      %scan3A_125:2 = scf.for %scan3A_169 = %scan3A_121 to %scan3A_123 step %scan3A_124 iter_args(%scan3A_170 = %broadcast_in_dim3A_118, %scan3A_171 = %broadcast_in_dim3A_120) -> (vector<16xf32>, vector<16xf32>)  : i32 {
        %mul3A_172 = arith.constant 16 : i32
        %mul3A_173 = arith.muli %scan3A_169, %mul3A_172 : i32
        %get3A_174 = arith.index_cast %mul3A_173 : i32 to index
        %get3A_175 = tpu.vector_load %arg8[%get3A_174] {strides = array<i32>} : memref<2048xf32, #tpu.memory_space<vmem>>, vector<16xf32>,
        %get3A_176 = vector.shape_cast %get3A_175 : vector<16xf32> to vector<16xf32>
        %get3A_177 = arith.index_cast %mul3A_173 : i32 to index
        %get3A_178 = tpu.vector_load %arg9[%get3A_177] {strides = array<i32>} : memref<2048xf32, #tpu.memory_space<vmem>>, vector<16xf32>,
        %get3A_179 = vector.shape_cast %get3A_178 : vector<16xf32> to vector<16xf32>
        %get3A_180 = arith.index_cast %mul3A_173 : i32 to index
        %get3A_181 = tpu.vector_load %arg10[%get3A_180] {strides = array<i32>} : memref<2048xf32, #tpu.memory_space<vmem>>, vector<16xf32>,
        %get3A_182 = vector.shape_cast %get3A_181 : vector<16xf32> to vector<16xf32>
        %get3A_183 = arith.index_cast %mul3A_173 : i32 to index
        %get3A_184 = tpu.vector_load %arg11[%get3A_183] {strides = array<i32>} : memref<2048xf32, #tpu.memory_space<vmem>>, vector<16xf32>,
        %get3A_185 = vector.shape_cast %get3A_184 : vector<16xf32> to vector<16xf32>
        %mul3A_186 = arith.mulf %mul3A_60, %get3A_176 : vector<16xf32>
        %mul3A_187 = arith.mulf %mul3A_66, %get3A_179 : vector<16xf32>
        %mul3A_188 = arith.mulf %mul3A_72, %get3A_182 : vector<16xf32>
        %add3A_189 = arith.addf %mul3A_188, %get3A_185 : vector<16xf32>
        %add3A_190 = arith.addf %mul3A_187, %add3A_189 : vector<16xf32>
        %add3A_191 = arith.addf %mul3A_186, %add3A_190 : vector<16xf32>
        %min3A = arith.minimumf %scan3A_170, %add3A_191 : vector<16xf32>
        %mul3A_192 = arith.mulf %mul3A_80, %get3A_176 : vector<16xf32>
        %mul3A_193 = arith.mulf %mul3A_86, %get3A_179 : vector<16xf32>
        %mul3A_194 = arith.mulf %mul3A_92, %get3A_182 : vector<16xf32>
        %add3A_195 = arith.addf %mul3A_194, %get3A_185 : vector<16xf32>
        %add3A_196 = arith.addf %mul3A_193, %add3A_195 : vector<16xf32>
        %add3A_197 = arith.addf %mul3A_192, %add3A_196 : vector<16xf32>
        %min3A_198 = arith.minimumf %scan3A_171, %add3A_197 : vector<16xf32>
        %lt3A_199 = arith.constant 0 : i32
        %lt3A_200 = vector.broadcast %lt3A_199 : i32 to vector<16xi32>
        %lt3A_201 = arith.cmpi slt, %select_n3A_117, %lt3A_200 : vector<16xi32>
        %add3A_202 = arith.constant 16 : i32
        %add3A_203 = vector.broadcast %add3A_202 : i32 to vector<16xi32>
        %add3A_204 = arith.addi %select_n3A_117, %add3A_203 : vector<16xi32>
        %select_n3A_205 = arith.select %lt3A_201, %add3A_204, %select_n3A_117 : vector<16xi1>, vector<16xi32>
        %reshape3A = vector.shape_cast %select_n3A_205 : vector<16xi32> to vector<16x1xi32>
        %gather3A = vector.shape_cast %reshape3A : vector<16x1xi32> to vector<16xi32>
        %gather3A_206 = tpu.dynamic_gather %get3A_176[%gather3A] in [0] : vector<16xf32>, vector<16xi32> -> vector<16xf32>
        %lt3A_207 = arith.constant 0 : i32
        %lt3A_208 = vector.broadcast %lt3A_207 : i32 to vector<16xi32>
        %lt3A_209 = arith.cmpi slt, %select_n3A_117, %lt3A_208 : vector<16xi32>
        %add3A_210 = arith.constant 16 : i32
        %add3A_211 = vector.broadcast %add3A_210 : i32 to vector<16xi32>
        %add3A_212 = arith.addi %select_n3A_117, %add3A_211 : vector<16xi32>
        %select_n3A_213 = arith.select %lt3A_209, %add3A_212, %select_n3A_117 : vector<16xi1>, vector<16xi32>
        %reshape3A_214 = vector.shape_cast %select_n3A_213 : vector<16xi32> to vector<16x1xi32>
        %gather3A_215 = vector.shape_cast %reshape3A_214 : vector<16x1xi32> to vector<16xi32>
        %gather3A_216 = tpu.dynamic_gather %get3A_179[%gather3A_215] in [0] : vector<16xf32>, vector<16xi32> -> vector<16xf32>
        %lt3A_217 = arith.constant 0 : i32
        %lt3A_218 = vector.broadcast %lt3A_217 : i32 to vector<16xi32>
        %lt3A_219 = arith.cmpi slt, %select_n3A_117, %lt3A_218 : vector<16xi32>
        %add3A_220 = arith.constant 16 : i32
        %add3A_221 = vector.broadcast %add3A_220 : i32 to vector<16xi32>
        %add3A_222 = arith.addi %select_n3A_117, %add3A_221 : vector<16xi32>
        %select_n3A_223 = arith.select %lt3A_219, %add3A_222, %select_n3A_117 : vector<16xi1>, vector<16xi32>
        %reshape3A_224 = vector.shape_cast %select_n3A_223 : vector<16xi32> to vector<16x1xi32>
        %gather3A_225 = vector.shape_cast %reshape3A_224 : vector<16x1xi32> to vector<16xi32>
        %gather3A_226 = tpu.dynamic_gather %get3A_182[%gather3A_225] in [0] : vector<16xf32>, vector<16xi32> -> vector<16xf32>
        %lt3A_227 = arith.constant 0 : i32
        %lt3A_228 = vector.broadcast %lt3A_227 : i32 to vector<16xi32>
        %lt3A_229 = arith.cmpi slt, %select_n3A_117, %lt3A_228 : vector<16xi32>
        %add3A_230 = arith.constant 16 : i32
        %add3A_231 = vector.broadcast %add3A_230 : i32 to vector<16xi32>
        %add3A_232 = arith.addi %select_n3A_117, %add3A_231 : vector<16xi32>
        %select_n3A_233 = arith.select %lt3A_229, %add3A_232, %select_n3A_117 : vector<16xi1>, vector<16xi32>
        %reshape3A_234 = vector.shape_cast %select_n3A_233 : vector<16xi32> to vector<16x1xi32>
        %gather3A_235 = vector.shape_cast %reshape3A_234 : vector<16x1xi32> to vector<16xi32>
        %gather3A_236 = tpu.dynamic_gather %get3A_185[%gather3A_235] in [0] : vector<16xf32>, vector<16xi32> -> vector<16xf32>
        %mul3A_237 = arith.mulf %mul3A_60, %gather3A_206 : vector<16xf32>
        %mul3A_238 = arith.mulf %mul3A_66, %gather3A_216 : vector<16xf32>
        %mul3A_239 = arith.mulf %mul3A_72, %gather3A_226 : vector<16xf32>
        %add3A_240 = arith.addf %mul3A_239, %gather3A_236 : vector<16xf32>
        %add3A_241 = arith.addf %mul3A_238, %add3A_240 : vector<16xf32>
        %add3A_242 = arith.addf %mul3A_237, %add3A_241 : vector<16xf32>
        %min3A_243 = arith.minimumf %min3A, %add3A_242 : vector<16xf32>
        %mul3A_244 = arith.mulf %mul3A_80, %gather3A_206 : vector<16xf32>
        %mul3A_245 = arith.mulf %mul3A_86, %gather3A_216 : vector<16xf32>
        %mul3A_246 = arith.mulf %mul3A_92, %gather3A_226 : vector<16xf32>
        %add3A_247 = arith.addf %mul3A_246, %gather3A_236 : vector<16xf32>
        %add3A_248 = arith.addf %mul3A_245, %add3A_247 : vector<16xf32>
        %add3A_249 = arith.addf %mul3A_244, %add3A_248 : vector<16xf32>
        %min3A_250 = arith.minimumf %min3A_198, %add3A_249 : vector<16xf32>
        %lt3A_251 = arith.constant 0 : i32
        %lt3A_252 = vector.broadcast %lt3A_251 : i32 to vector<16xi32>
        %lt3A_253 = arith.cmpi slt, %select_n3A_117, %lt3A_252 : vector<16xi32>
        %add3A_254 = arith.constant 16 : i32
        %add3A_255 = vector.broadcast %add3A_254 : i32 to vector<16xi32>
        %add3A_256 = arith.addi %select_n3A_117, %add3A_255 : vector<16xi32>
        %select_n3A_257 = arith.select %lt3A_253, %add3A_256, %select_n3A_117 : vector<16xi1>, vector<16xi32>
        %reshape3A_258 = vector.shape_cast %select_n3A_257 : vector<16xi32> to vector<16x1xi32>
        %gather3A_259 = vector.shape_cast %reshape3A_258 : vector<16x1xi32> to vector<16xi32>
        %gather3A_260 = tpu.dynamic_gather %gather3A_206[%gather3A_259] in [0] : vector<16xf32>, vector<16xi32> -> vector<16xf32>
        %lt3A_261 = arith.constant 0 : i32
        %lt3A_262 = vector.broadcast %lt3A_261 : i32 to vector<16xi32>
        %lt3A_263 = arith.cmpi slt, %select_n3A_117, %lt3A_262 : vector<16xi32>
        %add3A_264 = arith.constant 16 : i32
        %add3A_265 = vector.broadcast %add3A_264 : i32 to vector<16xi32>
        %add3A_266 = arith.addi %select_n3A_117, %add3A_265 : vector<16xi32>
        %select_n3A_267 = arith.select %lt3A_263, %add3A_266, %select_n3A_117 : vector<16xi1>, vector<16xi32>
        %reshape3A_268 = vector.shape_cast %select_n3A_267 : vector<16xi32> to vector<16x1xi32>
        %gather3A_269 = vector.shape_cast %reshape3A_268 : vector<16x1xi32> to vector<16xi32>
        %gather3A_270 = tpu.dynamic_gather %gather3A_216[%gather3A_269] in [0] : vector<16xf32>, vector<16xi32> -> vector<16xf32>
        %lt3A_271 = arith.constant 0 : i32
        %lt3A_272 = vector.broadcast %lt3A_271 : i32 to vector<16xi32>
        %lt3A_273 = arith.cmpi slt, %select_n3A_117, %lt3A_272 : vector<16xi32>
        %add3A_274 = arith.constant 16 : i32
        %add3A_275 = vector.broadcast %add3A_274 : i32 to vector<16xi32>
        %add3A_276 = arith.addi %select_n3A_117, %add3A_275 : vector<16xi32>
        %select_n3A_277 = arith.select %lt3A_273, %add3A_276, %select_n3A_117 : vector<16xi1>, vector<16xi32>
        %reshape3A_278 = vector.shape_cast %select_n3A_277 : vector<16xi32> to vector<16x1xi32>
        %gather3A_279 = vector.shape_cast %reshape3A_278 : vector<16x1xi32> to vector<16xi32>
        %gather3A_280 = tpu.dynamic_gather %gather3A_226[%gather3A_279] in [0] : vector<16xf32>, vector<16xi32> -> vector<16xf32>
        %lt3A_281 = arith.constant 0 : i32
        %lt3A_282 = vector.broadcast %lt3A_281 : i32 to vector<16xi32>
        %lt3A_283 = arith.cmpi slt, %select_n3A_117, %lt3A_282 : vector<16xi32>
        %add3A_284 = arith.constant 16 : i32
        %add3A_285 = vector.broadcast %add3A_284 : i32 to vector<16xi32>
        %add3A_286 = arith.addi %select_n3A_117, %add3A_285 : vector<16xi32>
        %select_n3A_287 = arith.select %lt3A_283, %add3A_286, %select_n3A_117 : vector<16xi1>, vector<16xi32>
        %reshape3A_288 = vector.shape_cast %select_n3A_287 : vector<16xi32> to vector<16x1xi32>
        %gather3A_289 = vector.shape_cast %reshape3A_288 : vector<16x1xi32> to vector<16xi32>
        %gather3A_290 = tpu.dynamic_gather %gather3A_236[%gather3A_289] in [0] : vector<16xf32>, vector<16xi32> -> vector<16xf32>
        %mul3A_291 = arith.mulf %mul3A_60, %gather3A_260 : vector<16xf32>
        %mul3A_292 = arith.mulf %mul3A_66, %gather3A_270 : vector<16xf32>
        %mul3A_293 = arith.mulf %mul3A_72, %gather3A_280 : vector<16xf32>
        %add3A_294 = arith.addf %mul3A_293, %gather3A_290 : vector<16xf32>
        %add3A_295 = arith.addf %mul3A_292, %add3A_294 : vector<16xf32>
        %add3A_296 = arith.addf %mul3A_291, %add3A_295 : vector<16xf32>
        %min3A_297 = arith.minimumf %min3A_243, %add3A_296 : vector<16xf32>
        %mul3A_298 = arith.mulf %mul3A_80, %gather3A_260 : vector<16xf32>
        %mul3A_299 = arith.mulf %mul3A_86, %gather3A_270 : vector<16xf32>
        %mul3A_300 = arith.mulf %mul3A_92, %gather3A_280 : vector<16xf32>
        %add3A_301 = arith.addf %mul3A_300, %gather3A_290 : vector<16xf32>
        %add3A_302 = arith.addf %mul3A_299, %add3A_301 : vector<16xf32>
        %add3A_303 = arith.addf %mul3A_298, %add3A_302 : vector<16xf32>
        %min3A_304 = arith.minimumf %min3A_250, %add3A_303 : vector<16xf32>
        %lt3A_305 = arith.constant 0 : i32
        %lt3A_306 = vector.broadcast %lt3A_305 : i32 to vector<16xi32>
        %lt3A_307 = arith.cmpi slt, %select_n3A_117, %lt3A_306 : vector<16xi32>
        %add3A_308 = arith.constant 16 : i32
        %add3A_309 = vector.broadcast %add3A_308 : i32 to vector<16xi32>
        %add3A_310 = arith.addi %select_n3A_117, %add3A_309 : vector<16xi32>
        %select_n3A_311 = arith.select %lt3A_307, %add3A_310, %select_n3A_117 : vector<16xi1>, vector<16xi32>
        %reshape3A_312 = vector.shape_cast %select_n3A_311 : vector<16xi32> to vector<16x1xi32>
        %gather3A_313 = vector.shape_cast %reshape3A_312 : vector<16x1xi32> to vector<16xi32>
        %gather3A_314 = tpu.dynamic_gather %gather3A_260[%gather3A_313] in [0] : vector<16xf32>, vector<16xi32> -> vector<16xf32>
        %lt3A_315 = arith.constant 0 : i32
        %lt3A_316 = vector.broadcast %lt3A_315 : i32 to vector<16xi32>
        %lt3A_317 = arith.cmpi slt, %select_n3A_117, %lt3A_316 : vector<16xi32>
        %add3A_318 = arith.constant 16 : i32
        %add3A_319 = vector.broadcast %add3A_318 : i32 to vector<16xi32>
        %add3A_320 = arith.addi %select_n3A_117, %add3A_319 : vector<16xi32>
        %select_n3A_321 = arith.select %lt3A_317, %add3A_320, %select_n3A_117 : vector<16xi1>, vector<16xi32>
        %reshape3A_322 = vector.shape_cast %select_n3A_321 : vector<16xi32> to vector<16x1xi32>
        %gather3A_323 = vector.shape_cast %reshape3A_322 : vector<16x1xi32> to vector<16xi32>
        %gather3A_324 = tpu.dynamic_gather %gather3A_270[%gather3A_323] in [0] : vector<16xf32>, vector<16xi32> -> vector<16xf32>
        %lt3A_325 = arith.constant 0 : i32
        %lt3A_326 = vector.broadcast %lt3A_325 : i32 to vector<16xi32>
        %lt3A_327 = arith.cmpi slt, %select_n3A_117, %lt3A_326 : vector<16xi32>
        %add3A_328 = arith.constant 16 : i32
        %add3A_329 = vector.broadcast %add3A_328 : i32 to vector<16xi32>
        %add3A_330 = arith.addi %select_n3A_117, %add3A_329 : vector<16xi32>
        %select_n3A_331 = arith.select %lt3A_327, %add3A_330, %select_n3A_117 : vector<16xi1>, vector<16xi32>
        %reshape3A_332 = vector.shape_cast %select_n3A_331 : vector<16xi32> to vector<16x1xi32>
        %gather3A_333 = vector.shape_cast %reshape3A_332 : vector<16x1xi32> to vector<16xi32>
        %gather3A_334 = tpu.dynamic_gather %gather3A_280[%gather3A_333] in [0] : vector<16xf32>, vector<16xi32> -> vector<16xf32>
        %lt3A_335 = arith.constant 0 : i32
        %lt3A_336 = vector.broadcast %lt3A_335 : i32 to vector<16xi32>
        %lt3A_337 = arith.cmpi slt, %select_n3A_117, %lt3A_336 : vector<16xi32>
        %add3A_338 = arith.constant 16 : i32
        %add3A_339 = vector.broadcast %add3A_338 : i32 to vector<16xi32>
        %add3A_340 = arith.addi %select_n3A_117, %add3A_339 : vector<16xi32>
        %select_n3A_341 = arith.select %lt3A_337, %add3A_340, %select_n3A_117 : vector<16xi1>, vector<16xi32>
        %reshape3A_342 = vector.shape_cast %select_n3A_341 : vector<16xi32> to vector<16x1xi32>
        %gather3A_343 = vector.shape_cast %reshape3A_342 : vector<16x1xi32> to vector<16xi32>
        %gather3A_344 = tpu.dynamic_gather %gather3A_290[%gather3A_343] in [0] : vector<16xf32>, vector<16xi32> -> vector<16xf32>
        %mul3A_345 = arith.mulf %mul3A_60, %gather3A_314 : vector<16xf32>
        %mul3A_346 = arith.mulf %mul3A_66, %gather3A_324 : vector<16xf32>
        %mul3A_347 = arith.mulf %mul3A_72, %gather3A_334 : vector<16xf32>
        %add3A_348 = arith.addf %mul3A_347, %gather3A_344 : vector<16xf32>
        %add3A_349 = arith.addf %mul3A_346, %add3A_348 : vector<16xf32>
        %add3A_350 = arith.addf %mul3A_345, %add3A_349 : vector<16xf32>
        %min3A_351 = arith.minimumf %min3A_297, %add3A_350 : vector<16xf32>
        %mul3A_352 = arith.mulf %mul3A_80, %gather3A_314 : vector<16xf32>
        %mul3A_353 = arith.mulf %mul3A_86, %gather3A_324 : vector<16xf32>
        %mul3A_354 = arith.mulf %mul3A_92, %gather3A_334 : vector<16xf32>
        %add3A_355 = arith.addf %mul3A_354, %gather3A_344 : vector<16xf32>
        %add3A_356 = arith.addf %mul3A_353, %add3A_355 : vector<16xf32>
        %add3A_357 = arith.addf %mul3A_352, %add3A_356 : vector<16xf32>
        %min3A_358 = arith.minimumf %min3A_304, %add3A_357 : vector<16xf32>
        %lt3A_359 = arith.constant 0 : i32
        %lt3A_360 = vector.broadcast %lt3A_359 : i32 to vector<16xi32>
        %lt3A_361 = arith.cmpi slt, %select_n3A_117, %lt3A_360 : vector<16xi32>
        %add3A_362 = arith.constant 16 : i32
        %add3A_363 = vector.broadcast %add3A_362 : i32 to vector<16xi32>
        %add3A_364 = arith.addi %select_n3A_117, %add3A_363 : vector<16xi32>
        %select_n3A_365 = arith.select %lt3A_361, %add3A_364, %select_n3A_117 : vector<16xi1>, vector<16xi32>
        %reshape3A_366 = vector.shape_cast %select_n3A_365 : vector<16xi32> to vector<16x1xi32>
        %gather3A_367 = vector.shape_cast %reshape3A_366 : vector<16x1xi32> to vector<16xi32>
        %gather3A_368 = tpu.dynamic_gather %gather3A_314[%gather3A_367] in [0] : vector<16xf32>, vector<16xi32> -> vector<16xf32>
        %lt3A_369 = arith.constant 0 : i32
        %lt3A_370 = vector.broadcast %lt3A_369 : i32 to vector<16xi32>
        %lt3A_371 = arith.cmpi slt, %select_n3A_117, %lt3A_370 : vector<16xi32>
        %add3A_372 = arith.constant 16 : i32
        %add3A_373 = vector.broadcast %add3A_372 : i32 to vector<16xi32>
        %add3A_374 = arith.addi %select_n3A_117, %add3A_373 : vector<16xi32>
        %select_n3A_375 = arith.select %lt3A_371, %add3A_374, %select_n3A_117 : vector<16xi1>, vector<16xi32>
        %reshape3A_376 = vector.shape_cast %select_n3A_375 : vector<16xi32> to vector<16x1xi32>
        %gather3A_377 = vector.shape_cast %reshape3A_376 : vector<16x1xi32> to vector<16xi32>
        %gather3A_378 = tpu.dynamic_gather %gather3A_324[%gather3A_377] in [0] : vector<16xf32>, vector<16xi32> -> vector<16xf32>
        %lt3A_379 = arith.constant 0 : i32
        %lt3A_380 = vector.broadcast %lt3A_379 : i32 to vector<16xi32>
        %lt3A_381 = arith.cmpi slt, %select_n3A_117, %lt3A_380 : vector<16xi32>
        %add3A_382 = arith.constant 16 : i32
        %add3A_383 = vector.broadcast %add3A_382 : i32 to vector<16xi32>
        %add3A_384 = arith.addi %select_n3A_117, %add3A_383 : vector<16xi32>
        %select_n3A_385 = arith.select %lt3A_381, %add3A_384, %select_n3A_117 : vector<16xi1>, vector<16xi32>
        %reshape3A_386 = vector.shape_cast %select_n3A_385 : vector<16xi32> to vector<16x1xi32>
        %gather3A_387 = vector.shape_cast %reshape3A_386 : vector<16x1xi32> to vector<16xi32>
        %gather3A_388 = tpu.dynamic_gather %gather3A_334[%gather3A_387] in [0] : vector<16xf32>, vector<16xi32> -> vector<16xf32>
        %lt3A_389 = arith.constant 0 : i32
        %lt3A_390 = vector.broadcast %lt3A_389 : i32 to vector<16xi32>
        %lt3A_391 = arith.cmpi slt, %select_n3A_117, %lt3A_390 : vector<16xi32>
        %add3A_392 = arith.constant 16 : i32
        %add3A_393 = vector.broadcast %add3A_392 : i32 to vector<16xi32>
        %add3A_394 = arith.addi %select_n3A_117, %add3A_393 : vector<16xi32>
        %select_n3A_395 = arith.select %lt3A_391, %add3A_394, %select_n3A_117 : vector<16xi1>, vector<16xi32>
        %reshape3A_396 = vector.shape_cast %select_n3A_395 : vector<16xi32> to vector<16x1xi32>
        %gather3A_397 = vector.shape_cast %reshape3A_396 : vector<16x1xi32> to vector<16xi32>
        %gather3A_398 = tpu.dynamic_gather %gather3A_344[%gather3A_397] in [0] : vector<16xf32>, vector<16xi32> -> vector<16xf32>
        %mul3A_399 = arith.mulf %mul3A_60, %gather3A_368 : vector<16xf32>
        %mul3A_400 = arith.mulf %mul3A_66, %gather3A_378 : vector<16xf32>
        %mul3A_401 = arith.mulf %mul3A_72, %gather3A_388 : vector<16xf32>
        %add3A_402 = arith.addf %mul3A_401, %gather3A_398 : vector<16xf32>
        %add3A_403 = arith.addf %mul3A_400, %add3A_402 : vector<16xf32>
        %add3A_404 = arith.addf %mul3A_399, %add3A_403 : vector<16xf32>
        %min3A_405 = arith.minimumf %min3A_351, %add3A_404 : vector<16xf32>
        %mul3A_406 = arith.mulf %mul3A_80, %gather3A_368 : vector<16xf32>
        %mul3A_407 = arith.mulf %mul3A_86, %gather3A_378 : vector<16xf32>
        %mul3A_408 = arith.mulf %mul3A_92, %gather3A_388 : vector<16xf32>
        %add3A_409 = arith.addf %mul3A_408, %gather3A_398 : vector<16xf32>
        %add3A_410 = arith.addf %mul3A_407, %add3A_409 : vector<16xf32>
        %add3A_411 = arith.addf %mul3A_406, %add3A_410 : vector<16xf32>
        %min3A_412 = arith.minimumf %min3A_358, %add3A_411 : vector<16xf32>
        %lt3A_413 = arith.constant 0 : i32
        %lt3A_414 = vector.broadcast %lt3A_413 : i32 to vector<16xi32>
        %lt3A_415 = arith.cmpi slt, %select_n3A_117, %lt3A_414 : vector<16xi32>
        %add3A_416 = arith.constant 16 : i32
        %add3A_417 = vector.broadcast %add3A_416 : i32 to vector<16xi32>
        %add3A_418 = arith.addi %select_n3A_117, %add3A_417 : vector<16xi32>
        %select_n3A_419 = arith.select %lt3A_415, %add3A_418, %select_n3A_117 : vector<16xi1>, vector<16xi32>
        %reshape3A_420 = vector.shape_cast %select_n3A_419 : vector<16xi32> to vector<16x1xi32>
        %gather3A_421 = vector.shape_cast %reshape3A_420 : vector<16x1xi32> to vector<16xi32>
        %gather3A_422 = tpu.dynamic_gather %gather3A_368[%gather3A_421] in [0] : vector<16xf32>, vector<16xi32> -> vector<16xf32>
        %lt3A_423 = arith.constant 0 : i32
        %lt3A_424 = vector.broadcast %lt3A_423 : i32 to vector<16xi32>
        %lt3A_425 = arith.cmpi slt, %select_n3A_117, %lt3A_424 : vector<16xi32>
        %add3A_426 = arith.constant 16 : i32
        %add3A_427 = vector.broadcast %add3A_426 : i32 to vector<16xi32>
        %add3A_428 = arith.addi %select_n3A_117, %add3A_427 : vector<16xi32>
        %select_n3A_429 = arith.select %lt3A_425, %add3A_428, %select_n3A_117 : vector<16xi1>, vector<16xi32>
        %reshape3A_430 = vector.shape_cast %select_n3A_429 : vector<16xi32> to vector<16x1xi32>
        %gather3A_431 = vector.shape_cast %reshape3A_430 : vector<16x1xi32> to vector<16xi32>
        %gather3A_432 = tpu.dynamic_gather %gather3A_378[%gather3A_431] in [0] : vector<16xf32>, vector<16xi32> -> vector<16xf32>
        %lt3A_433 = arith.constant 0 : i32
        %lt3A_434 = vector.broadcast %lt3A_433 : i32 to vector<16xi32>
        %lt3A_435 = arith.cmpi slt, %select_n3A_117, %lt3A_434 : vector<16xi32>
        %add3A_436 = arith.constant 16 : i32
        %add3A_437 = vector.broadcast %add3A_436 : i32 to vector<16xi32>
        %add3A_438 = arith.addi %select_n3A_117, %add3A_437 : vector<16xi32>
        %select_n3A_439 = arith.select %lt3A_435, %add3A_438, %select_n3A_117 : vector<16xi1>, vector<16xi32>
        %reshape3A_440 = vector.shape_cast %select_n3A_439 : vector<16xi32> to vector<16x1xi32>
        %gather3A_441 = vector.shape_cast %reshape3A_440 : vector<16x1xi32> to vector<16xi32>
        %gather3A_442 = tpu.dynamic_gather %gather3A_388[%gather3A_441] in [0] : vector<16xf32>, vector<16xi32> -> vector<16xf32>
        %lt3A_443 = arith.constant 0 : i32
        %lt3A_444 = vector.broadcast %lt3A_443 : i32 to vector<16xi32>
        %lt3A_445 = arith.cmpi slt, %select_n3A_117, %lt3A_444 : vector<16xi32>
        %add3A_446 = arith.constant 16 : i32
        %add3A_447 = vector.broadcast %add3A_446 : i32 to vector<16xi32>
        %add3A_448 = arith.addi %select_n3A_117, %add3A_447 : vector<16xi32>
        %select_n3A_449 = arith.select %lt3A_445, %add3A_448, %select_n3A_117 : vector<16xi1>, vector<16xi32>
        %reshape3A_450 = vector.shape_cast %select_n3A_449 : vector<16xi32> to vector<16x1xi32>
        %gather3A_451 = vector.shape_cast %reshape3A_450 : vector<16x1xi32> to vector<16xi32>
        %gather3A_452 = tpu.dynamic_gather %gather3A_398[%gather3A_451] in [0] : vector<16xf32>, vector<16xi32> -> vector<16xf32>
        %mul3A_453 = arith.mulf %mul3A_60, %gather3A_422 : vector<16xf32>
        %mul3A_454 = arith.mulf %mul3A_66, %gather3A_432 : vector<16xf32>
        %mul3A_455 = arith.mulf %mul3A_72, %gather3A_442 : vector<16xf32>
        %add3A_456 = arith.addf %mul3A_455, %gather3A_452 : vector<16xf32>
        %add3A_457 = arith.addf %mul3A_454, %add3A_456 : vector<16xf32>
        %add3A_458 = arith.addf %mul3A_453, %add3A_457 : vector<16xf32>
        %min3A_459 = arith.minimumf %min3A_405, %add3A_458 : vector<16xf32>
        %mul3A_460 = arith.mulf %mul3A_80, %gather3A_422 : vector<16xf32>
        %mul3A_461 = arith.mulf %mul3A_86, %gather3A_432 : vector<16xf32>
        %mul3A_462 = arith.mulf %mul3A_92, %gather3A_442 : vector<16xf32>
        %add3A_463 = arith.addf %mul3A_462, %gather3A_452 : vector<16xf32>
        %add3A_464 = arith.addf %mul3A_461, %add3A_463 : vector<16xf32>
        %add3A_465 = arith.addf %mul3A_460, %add3A_464 : vector<16xf32>
        %min3A_466 = arith.minimumf %min3A_412, %add3A_465 : vector<16xf32>
        %lt3A_467 = arith.constant 0 : i32
        %lt3A_468 = vector.broadcast %lt3A_467 : i32 to vector<16xi32>
        %lt3A_469 = arith.cmpi slt, %select_n3A_117, %lt3A_468 : vector<16xi32>
        %add3A_470 = arith.constant 16 : i32
        %add3A_471 = vector.broadcast %add3A_470 : i32 to vector<16xi32>
        %add3A_472 = arith.addi %select_n3A_117, %add3A_471 : vector<16xi32>
        %select_n3A_473 = arith.select %lt3A_469, %add3A_472, %select_n3A_117 : vector<16xi1>, vector<16xi32>
        %reshape3A_474 = vector.shape_cast %select_n3A_473 : vector<16xi32> to vector<16x1xi32>
        %gather3A_475 = vector.shape_cast %reshape3A_474 : vector<16x1xi32> to vector<16xi32>
        %gather3A_476 = tpu.dynamic_gather %gather3A_422[%gather3A_475] in [0] : vector<16xf32>, vector<16xi32> -> vector<16xf32>
        %lt3A_477 = arith.constant 0 : i32
        %lt3A_478 = vector.broadcast %lt3A_477 : i32 to vector<16xi32>
        %lt3A_479 = arith.cmpi slt, %select_n3A_117, %lt3A_478 : vector<16xi32>
        %add3A_480 = arith.constant 16 : i32
        %add3A_481 = vector.broadcast %add3A_480 : i32 to vector<16xi32>
        %add3A_482 = arith.addi %select_n3A_117, %add3A_481 : vector<16xi32>
        %select_n3A_483 = arith.select %lt3A_479, %add3A_482, %select_n3A_117 : vector<16xi1>, vector<16xi32>
        %reshape3A_484 = vector.shape_cast %select_n3A_483 : vector<16xi32> to vector<16x1xi32>
        %gather3A_485 = vector.shape_cast %reshape3A_484 : vector<16x1xi32> to vector<16xi32>
        %gather3A_486 = tpu.dynamic_gather %gather3A_432[%gather3A_485] in [0] : vector<16xf32>, vector<16xi32> -> vector<16xf32>
        %lt3A_487 = arith.constant 0 : i32
        %lt3A_488 = vector.broadcast %lt3A_487 : i32 to vector<16xi32>
        %lt3A_489 = arith.cmpi slt, %select_n3A_117, %lt3A_488 : vector<16xi32>
        %add3A_490 = arith.constant 16 : i32
        %add3A_491 = vector.broadcast %add3A_490 : i32 to vector<16xi32>
        %add3A_492 = arith.addi %select_n3A_117, %add3A_491 : vector<16xi32>
        %select_n3A_493 = arith.select %lt3A_489, %add3A_492, %select_n3A_117 : vector<16xi1>, vector<16xi32>
        %reshape3A_494 = vector.shape_cast %select_n3A_493 : vector<16xi32> to vector<16x1xi32>
        %gather3A_495 = vector.shape_cast %reshape3A_494 : vector<16x1xi32> to vector<16xi32>
        %gather3A_496 = tpu.dynamic_gather %gather3A_442[%gather3A_495] in [0] : vector<16xf32>, vector<16xi32> -> vector<16xf32>
        %lt3A_497 = arith.constant 0 : i32
        %lt3A_498 = vector.broadcast %lt3A_497 : i32 to vector<16xi32>
        %lt3A_499 = arith.cmpi slt, %select_n3A_117, %lt3A_498 : vector<16xi32>
        %add3A_500 = arith.constant 16 : i32
        %add3A_501 = vector.broadcast %add3A_500 : i32 to vector<16xi32>
        %add3A_502 = arith.addi %select_n3A_117, %add3A_501 : vector<16xi32>
        %select_n3A_503 = arith.select %lt3A_499, %add3A_502, %select_n3A_117 : vector<16xi1>, vector<16xi32>
        %reshape3A_504 = vector.shape_cast %select_n3A_503 : vector<16xi32> to vector<16x1xi32>
        %gather3A_505 = vector.shape_cast %reshape3A_504 : vector<16x1xi32> to vector<16xi32>
        %gather3A_506 = tpu.dynamic_gather %gather3A_452[%gather3A_505] in [0] : vector<16xf32>, vector<16xi32> -> vector<16xf32>
        %mul3A_507 = arith.mulf %mul3A_60, %gather3A_476 : vector<16xf32>
        %mul3A_508 = arith.mulf %mul3A_66, %gather3A_486 : vector<16xf32>
        %mul3A_509 = arith.mulf %mul3A_72, %gather3A_496 : vector<16xf32>
        %add3A_510 = arith.addf %mul3A_509, %gather3A_506 : vector<16xf32>
        %add3A_511 = arith.addf %mul3A_508, %add3A_510 : vector<16xf32>
        %add3A_512 = arith.addf %mul3A_507, %add3A_511 : vector<16xf32>
        %min3A_513 = arith.minimumf %min3A_459, %add3A_512 : vector<16xf32>
        %mul3A_514 = arith.mulf %mul3A_80, %gather3A_476 : vector<16xf32>
        %mul3A_515 = arith.mulf %mul3A_86, %gather3A_486 : vector<16xf32>
        %mul3A_516 = arith.mulf %mul3A_92, %gather3A_496 : vector<16xf32>
        %add3A_517 = arith.addf %mul3A_516, %gather3A_506 : vector<16xf32>
        %add3A_518 = arith.addf %mul3A_515, %add3A_517 : vector<16xf32>
        %add3A_519 = arith.addf %mul3A_514, %add3A_518 : vector<16xf32>
        %min3A_520 = arith.minimumf %min3A_466, %add3A_519 : vector<16xf32>
        %lt3A_521 = arith.constant 0 : i32
        %lt3A_522 = vector.broadcast %lt3A_521 : i32 to vector<16xi32>
        %lt3A_523 = arith.cmpi slt, %select_n3A_117, %lt3A_522 : vector<16xi32>
        %add3A_524 = arith.constant 16 : i32
        %add3A_525 = vector.broadcast %add3A_524 : i32 to vector<16xi32>
        %add3A_526 = arith.addi %select_n3A_117, %add3A_525 : vector<16xi32>
        %select_n3A_527 = arith.select %lt3A_523, %add3A_526, %select_n3A_117 : vector<16xi1>, vector<16xi32>
        %reshape3A_528 = vector.shape_cast %select_n3A_527 : vector<16xi32> to vector<16x1xi32>
        %gather3A_529 = vector.shape_cast %reshape3A_528 : vector<16x1xi32> to vector<16xi32>
        %gather3A_530 = tpu.dynamic_gather %gather3A_476[%gather3A_529] in [0] : vector<16xf32>, vector<16xi32> -> vector<16xf32>
        %lt3A_531 = arith.constant 0 : i32
        %lt3A_532 = vector.broadcast %lt3A_531 : i32 to vector<16xi32>
        %lt3A_533 = arith.cmpi slt, %select_n3A_117, %lt3A_532 : vector<16xi32>
        %add3A_534 = arith.constant 16 : i32
        %add3A_535 = vector.broadcast %add3A_534 : i32 to vector<16xi32>
        %add3A_536 = arith.addi %select_n3A_117, %add3A_535 : vector<16xi32>
        %select_n3A_537 = arith.select %lt3A_533, %add3A_536, %select_n3A_117 : vector<16xi1>, vector<16xi32>
        %reshape3A_538 = vector.shape_cast %select_n3A_537 : vector<16xi32> to vector<16x1xi32>
        %gather3A_539 = vector.shape_cast %reshape3A_538 : vector<16x1xi32> to vector<16xi32>
        %gather3A_540 = tpu.dynamic_gather %gather3A_486[%gather3A_539] in [0] : vector<16xf32>, vector<16xi32> -> vector<16xf32>
        %lt3A_541 = arith.constant 0 : i32
        %lt3A_542 = vector.broadcast %lt3A_541 : i32 to vector<16xi32>
        %lt3A_543 = arith.cmpi slt, %select_n3A_117, %lt3A_542 : vector<16xi32>
        %add3A_544 = arith.constant 16 : i32
        %add3A_545 = vector.broadcast %add3A_544 : i32 to vector<16xi32>
        %add3A_546 = arith.addi %select_n3A_117, %add3A_545 : vector<16xi32>
        %select_n3A_547 = arith.select %lt3A_543, %add3A_546, %select_n3A_117 : vector<16xi1>, vector<16xi32>
        %reshape3A_548 = vector.shape_cast %select_n3A_547 : vector<16xi32> to vector<16x1xi32>
        %gather3A_549 = vector.shape_cast %reshape3A_548 : vector<16x1xi32> to vector<16xi32>
        %gather3A_550 = tpu.dynamic_gather %gather3A_496[%gather3A_549] in [0] : vector<16xf32>, vector<16xi32> -> vector<16xf32>
        %lt3A_551 = arith.constant 0 : i32
        %lt3A_552 = vector.broadcast %lt3A_551 : i32 to vector<16xi32>
        %lt3A_553 = arith.cmpi slt, %select_n3A_117, %lt3A_552 : vector<16xi32>
        %add3A_554 = arith.constant 16 : i32
        %add3A_555 = vector.broadcast %add3A_554 : i32 to vector<16xi32>
        %add3A_556 = arith.addi %select_n3A_117, %add3A_555 : vector<16xi32>
        %select_n3A_557 = arith.select %lt3A_553, %add3A_556, %select_n3A_117 : vector<16xi1>, vector<16xi32>
        %reshape3A_558 = vector.shape_cast %select_n3A_557 : vector<16xi32> to vector<16x1xi32>
        %gather3A_559 = vector.shape_cast %reshape3A_558 : vector<16x1xi32> to vector<16xi32>
        %gather3A_560 = tpu.dynamic_gather %gather3A_506[%gather3A_559] in [0] : vector<16xf32>, vector<16xi32> -> vector<16xf32>
        %mul3A_561 = arith.mulf %mul3A_60, %gather3A_530 : vector<16xf32>
        %mul3A_562 = arith.mulf %mul3A_66, %gather3A_540 : vector<16xf32>
        %mul3A_563 = arith.mulf %mul3A_72, %gather3A_550 : vector<16xf32>
        %add3A_564 = arith.addf %mul3A_563, %gather3A_560 : vector<16xf32>
        %add3A_565 = arith.addf %mul3A_562, %add3A_564 : vector<16xf32>
        %add3A_566 = arith.addf %mul3A_561, %add3A_565 : vector<16xf32>
        %min3A_567 = arith.minimumf %min3A_513, %add3A_566 : vector<16xf32>
        %mul3A_568 = arith.mulf %mul3A_80, %gather3A_530 : vector<16xf32>
        %mul3A_569 = arith.mulf %mul3A_86, %gather3A_540 : vector<16xf32>
        %mul3A_570 = arith.mulf %mul3A_92, %gather3A_550 : vector<16xf32>
        %add3A_571 = arith.addf %mul3A_570, %gather3A_560 : vector<16xf32>
        %add3A_572 = arith.addf %mul3A_569, %add3A_571 : vector<16xf32>
        %add3A_573 = arith.addf %mul3A_568, %add3A_572 : vector<16xf32>
        %min3A_574 = arith.minimumf %min3A_520, %add3A_573 : vector<16xf32>
        %lt3A_575 = arith.constant 0 : i32
        %lt3A_576 = vector.broadcast %lt3A_575 : i32 to vector<16xi32>
        %lt3A_577 = arith.cmpi slt, %select_n3A_117, %lt3A_576 : vector<16xi32>
        %add3A_578 = arith.constant 16 : i32
        %add3A_579 = vector.broadcast %add3A_578 : i32 to vector<16xi32>
        %add3A_580 = arith.addi %select_n3A_117, %add3A_579 : vector<16xi32>
        %select_n3A_581 = arith.select %lt3A_577, %add3A_580, %select_n3A_117 : vector<16xi1>, vector<16xi32>
        %reshape3A_582 = vector.shape_cast %select_n3A_581 : vector<16xi32> to vector<16x1xi32>
        %gather3A_583 = vector.shape_cast %reshape3A_582 : vector<16x1xi32> to vector<16xi32>
        %gather3A_584 = tpu.dynamic_gather %gather3A_530[%gather3A_583] in [0] : vector<16xf32>, vector<16xi32> -> vector<16xf32>
        %lt3A_585 = arith.constant 0 : i32
        %lt3A_586 = vector.broadcast %lt3A_585 : i32 to vector<16xi32>
        %lt3A_587 = arith.cmpi slt, %select_n3A_117, %lt3A_586 : vector<16xi32>
        %add3A_588 = arith.constant 16 : i32
        %add3A_589 = vector.broadcast %add3A_588 : i32 to vector<16xi32>
        %add3A_590 = arith.addi %select_n3A_117, %add3A_589 : vector<16xi32>
        %select_n3A_591 = arith.select %lt3A_587, %add3A_590, %select_n3A_117 : vector<16xi1>, vector<16xi32>
        %reshape3A_592 = vector.shape_cast %select_n3A_591 : vector<16xi32> to vector<16x1xi32>
        %gather3A_593 = vector.shape_cast %reshape3A_592 : vector<16x1xi32> to vector<16xi32>
        %gather3A_594 = tpu.dynamic_gather %gather3A_540[%gather3A_593] in [0] : vector<16xf32>, vector<16xi32> -> vector<16xf32>
        %lt3A_595 = arith.constant 0 : i32
        %lt3A_596 = vector.broadcast %lt3A_595 : i32 to vector<16xi32>
        %lt3A_597 = arith.cmpi slt, %select_n3A_117, %lt3A_596 : vector<16xi32>
        %add3A_598 = arith.constant 16 : i32
        %add3A_599 = vector.broadcast %add3A_598 : i32 to vector<16xi32>
        %add3A_600 = arith.addi %select_n3A_117, %add3A_599 : vector<16xi32>
        %select_n3A_601 = arith.select %lt3A_597, %add3A_600, %select_n3A_117 : vector<16xi1>, vector<16xi32>
        %reshape3A_602 = vector.shape_cast %select_n3A_601 : vector<16xi32> to vector<16x1xi32>
        %gather3A_603 = vector.shape_cast %reshape3A_602 : vector<16x1xi32> to vector<16xi32>
        %gather3A_604 = tpu.dynamic_gather %gather3A_550[%gather3A_603] in [0] : vector<16xf32>, vector<16xi32> -> vector<16xf32>
        %lt3A_605 = arith.constant 0 : i32
        %lt3A_606 = vector.broadcast %lt3A_605 : i32 to vector<16xi32>
        %lt3A_607 = arith.cmpi slt, %select_n3A_117, %lt3A_606 : vector<16xi32>
        %add3A_608 = arith.constant 16 : i32
        %add3A_609 = vector.broadcast %add3A_608 : i32 to vector<16xi32>
        %add3A_610 = arith.addi %select_n3A_117, %add3A_609 : vector<16xi32>
        %select_n3A_611 = arith.select %lt3A_607, %add3A_610, %select_n3A_117 : vector<16xi1>, vector<16xi32>
        %reshape3A_612 = vector.shape_cast %select_n3A_611 : vector<16xi32> to vector<16x1xi32>
        %gather3A_613 = vector.shape_cast %reshape3A_612 : vector<16x1xi32> to vector<16xi32>
        %gather3A_614 = tpu.dynamic_gather %gather3A_560[%gather3A_613] in [0] : vector<16xf32>, vector<16xi32> -> vector<16xf32>
        %mul3A_615 = arith.mulf %mul3A_60, %gather3A_584 : vector<16xf32>
        %mul3A_616 = arith.mulf %mul3A_66, %gather3A_594 : vector<16xf32>
        %mul3A_617 = arith.mulf %mul3A_72, %gather3A_604 : vector<16xf32>
        %add3A_618 = arith.addf %mul3A_617, %gather3A_614 : vector<16xf32>
        %add3A_619 = arith.addf %mul3A_616, %add3A_618 : vector<16xf32>
        %add3A_620 = arith.addf %mul3A_615, %add3A_619 : vector<16xf32>
        %min3A_621 = arith.minimumf %min3A_567, %add3A_620 : vector<16xf32>
        %mul3A_622 = arith.mulf %mul3A_80, %gather3A_584 : vector<16xf32>
        %mul3A_623 = arith.mulf %mul3A_86, %gather3A_594 : vector<16xf32>
        %mul3A_624 = arith.mulf %mul3A_92, %gather3A_604 : vector<16xf32>
        %add3A_625 = arith.addf %mul3A_624, %gather3A_614 : vector<16xf32>
        %add3A_626 = arith.addf %mul3A_623, %add3A_625 : vector<16xf32>
        %add3A_627 = arith.addf %mul3A_622, %add3A_626 : vector<16xf32>
        %min3A_628 = arith.minimumf %min3A_574, %add3A_627 : vector<16xf32>
        %lt3A_629 = arith.constant 0 : i32
        %lt3A_630 = vector.broadcast %lt3A_629 : i32 to vector<16xi32>
        %lt3A_631 = arith.cmpi slt, %select_n3A_117, %lt3A_630 : vector<16xi32>
        %add3A_632 = arith.constant 16 : i32
        %add3A_633 = vector.broadcast %add3A_632 : i32 to vector<16xi32>
        %add3A_634 = arith.addi %select_n3A_117, %add3A_633 : vector<16xi32>
        %select_n3A_635 = arith.select %lt3A_631, %add3A_634, %select_n3A_117 : vector<16xi1>, vector<16xi32>
        %reshape3A_636 = vector.shape_cast %select_n3A_635 : vector<16xi32> to vector<16x1xi32>
        %gather3A_637 = vector.shape_cast %reshape3A_636 : vector<16x1xi32> to vector<16xi32>
        %gather3A_638 = tpu.dynamic_gather %gather3A_584[%gather3A_637] in [0] : vector<16xf32>, vector<16xi32> -> vector<16xf32>
        %lt3A_639 = arith.constant 0 : i32
        %lt3A_640 = vector.broadcast %lt3A_639 : i32 to vector<16xi32>
        %lt3A_641 = arith.cmpi slt, %select_n3A_117, %lt3A_640 : vector<16xi32>
        %add3A_642 = arith.constant 16 : i32
        %add3A_643 = vector.broadcast %add3A_642 : i32 to vector<16xi32>
        %add3A_644 = arith.addi %select_n3A_117, %add3A_643 : vector<16xi32>
        %select_n3A_645 = arith.select %lt3A_641, %add3A_644, %select_n3A_117 : vector<16xi1>, vector<16xi32>
        %reshape3A_646 = vector.shape_cast %select_n3A_645 : vector<16xi32> to vector<16x1xi32>
        %gather3A_647 = vector.shape_cast %reshape3A_646 : vector<16x1xi32> to vector<16xi32>
        %gather3A_648 = tpu.dynamic_gather %gather3A_594[%gather3A_647] in [0] : vector<16xf32>, vector<16xi32> -> vector<16xf32>
        %lt3A_649 = arith.constant 0 : i32
        %lt3A_650 = vector.broadcast %lt3A_649 : i32 to vector<16xi32>
        %lt3A_651 = arith.cmpi slt, %select_n3A_117, %lt3A_650 : vector<16xi32>
        %add3A_652 = arith.constant 16 : i32
        %add3A_653 = vector.broadcast %add3A_652 : i32 to vector<16xi32>
        %add3A_654 = arith.addi %select_n3A_117, %add3A_653 : vector<16xi32>
        %select_n3A_655 = arith.select %lt3A_651, %add3A_654, %select_n3A_117 : vector<16xi1>, vector<16xi32>
        %reshape3A_656 = vector.shape_cast %select_n3A_655 : vector<16xi32> to vector<16x1xi32>
        %gather3A_657 = vector.shape_cast %reshape3A_656 : vector<16x1xi32> to vector<16xi32>
        %gather3A_658 = tpu.dynamic_gather %gather3A_604[%gather3A_657] in [0] : vector<16xf32>, vector<16xi32> -> vector<16xf32>
        %lt3A_659 = arith.constant 0 : i32
        %lt3A_660 = vector.broadcast %lt3A_659 : i32 to vector<16xi32>
        %lt3A_661 = arith.cmpi slt, %select_n3A_117, %lt3A_660 : vector<16xi32>
        %add3A_662 = arith.constant 16 : i32
        %add3A_663 = vector.broadcast %add3A_662 : i32 to vector<16xi32>
        %add3A_664 = arith.addi %select_n3A_117, %add3A_663 : vector<16xi32>
        %select_n3A_665 = arith.select %lt3A_661, %add3A_664, %select_n3A_117 : vector<16xi1>, vector<16xi32>
        %reshape3A_666 = vector.shape_cast %select_n3A_665 : vector<16xi32> to vector<16x1xi32>
        %gather3A_667 = vector.shape_cast %reshape3A_666 : vector<16x1xi32> to vector<16xi32>
        %gather3A_668 = tpu.dynamic_gather %gather3A_614[%gather3A_667] in [0] : vector<16xf32>, vector<16xi32> -> vector<16xf32>
        %mul3A_669 = arith.mulf %mul3A_60, %gather3A_638 : vector<16xf32>
        %mul3A_670 = arith.mulf %mul3A_66, %gather3A_648 : vector<16xf32>
        %mul3A_671 = arith.mulf %mul3A_72, %gather3A_658 : vector<16xf32>
        %add3A_672 = arith.addf %mul3A_671, %gather3A_668 : vector<16xf32>
        %add3A_673 = arith.addf %mul3A_670, %add3A_672 : vector<16xf32>
        %add3A_674 = arith.addf %mul3A_669, %add3A_673 : vector<16xf32>
        %min3A_675 = arith.minimumf %min3A_621, %add3A_674 : vector<16xf32>
        %mul3A_676 = arith.mulf %mul3A_80, %gather3A_638 : vector<16xf32>
        %mul3A_677 = arith.mulf %mul3A_86, %gather3A_648 : vector<16xf32>
        %mul3A_678 = arith.mulf %mul3A_92, %gather3A_658 : vector<16xf32>
        %add3A_679 = arith.addf %mul3A_678, %gather3A_668 : vector<16xf32>
        %add3A_680 = arith.addf %mul3A_677, %add3A_679 : vector<16xf32>
        %add3A_681 = arith.addf %mul3A_676, %add3A_680 : vector<16xf32>
        %min3A_682 = arith.minimumf %min3A_628, %add3A_681 : vector<16xf32>
        %lt3A_683 = arith.constant 0 : i32
        %lt3A_684 = vector.broadcast %lt3A_683 : i32 to vector<16xi32>
        %lt3A_685 = arith.cmpi slt, %select_n3A_117, %lt3A_684 : vector<16xi32>
        %add3A_686 = arith.constant 16 : i32
        %add3A_687 = vector.broadcast %add3A_686 : i32 to vector<16xi32>
        %add3A_688 = arith.addi %select_n3A_117, %add3A_687 : vector<16xi32>
        %select_n3A_689 = arith.select %lt3A_685, %add3A_688, %select_n3A_117 : vector<16xi1>, vector<16xi32>
        %reshape3A_690 = vector.shape_cast %select_n3A_689 : vector<16xi32> to vector<16x1xi32>
        %gather3A_691 = vector.shape_cast %reshape3A_690 : vector<16x1xi32> to vector<16xi32>
        %gather3A_692 = tpu.dynamic_gather %gather3A_638[%gather3A_691] in [0] : vector<16xf32>, vector<16xi32> -> vector<16xf32>
        %lt3A_693 = arith.constant 0 : i32
        %lt3A_694 = vector.broadcast %lt3A_693 : i32 to vector<16xi32>
        %lt3A_695 = arith.cmpi slt, %select_n3A_117, %lt3A_694 : vector<16xi32>
        %add3A_696 = arith.constant 16 : i32
        %add3A_697 = vector.broadcast %add3A_696 : i32 to vector<16xi32>
        %add3A_698 = arith.addi %select_n3A_117, %add3A_697 : vector<16xi32>
        %select_n3A_699 = arith.select %lt3A_695, %add3A_698, %select_n3A_117 : vector<16xi1>, vector<16xi32>
        %reshape3A_700 = vector.shape_cast %select_n3A_699 : vector<16xi32> to vector<16x1xi32>
        %gather3A_701 = vector.shape_cast %reshape3A_700 : vector<16x1xi32> to vector<16xi32>
        %gather3A_702 = tpu.dynamic_gather %gather3A_648[%gather3A_701] in [0] : vector<16xf32>, vector<16xi32> -> vector<16xf32>
        %lt3A_703 = arith.constant 0 : i32
        %lt3A_704 = vector.broadcast %lt3A_703 : i32 to vector<16xi32>
        %lt3A_705 = arith.cmpi slt, %select_n3A_117, %lt3A_704 : vector<16xi32>
        %add3A_706 = arith.constant 16 : i32
        %add3A_707 = vector.broadcast %add3A_706 : i32 to vector<16xi32>
        %add3A_708 = arith.addi %select_n3A_117, %add3A_707 : vector<16xi32>
        %select_n3A_709 = arith.select %lt3A_705, %add3A_708, %select_n3A_117 : vector<16xi1>, vector<16xi32>
        %reshape3A_710 = vector.shape_cast %select_n3A_709 : vector<16xi32> to vector<16x1xi32>
        %gather3A_711 = vector.shape_cast %reshape3A_710 : vector<16x1xi32> to vector<16xi32>
        %gather3A_712 = tpu.dynamic_gather %gather3A_658[%gather3A_711] in [0] : vector<16xf32>, vector<16xi32> -> vector<16xf32>
        %lt3A_713 = arith.constant 0 : i32
        %lt3A_714 = vector.broadcast %lt3A_713 : i32 to vector<16xi32>
        %lt3A_715 = arith.cmpi slt, %select_n3A_117, %lt3A_714 : vector<16xi32>
        %add3A_716 = arith.constant 16 : i32
        %add3A_717 = vector.broadcast %add3A_716 : i32 to vector<16xi32>
        %add3A_718 = arith.addi %select_n3A_117, %add3A_717 : vector<16xi32>
        %select_n3A_719 = arith.select %lt3A_715, %add3A_718, %select_n3A_117 : vector<16xi1>, vector<16xi32>
        %reshape3A_720 = vector.shape_cast %select_n3A_719 : vector<16xi32> to vector<16x1xi32>
        %gather3A_721 = vector.shape_cast %reshape3A_720 : vector<16x1xi32> to vector<16xi32>
        %gather3A_722 = tpu.dynamic_gather %gather3A_668[%gather3A_721] in [0] : vector<16xf32>, vector<16xi32> -> vector<16xf32>
        %mul3A_723 = arith.mulf %mul3A_60, %gather3A_692 : vector<16xf32>
        %mul3A_724 = arith.mulf %mul3A_66, %gather3A_702 : vector<16xf32>
        %mul3A_725 = arith.mulf %mul3A_72, %gather3A_712 : vector<16xf32>
        %add3A_726 = arith.addf %mul3A_725, %gather3A_722 : vector<16xf32>
        %add3A_727 = arith.addf %mul3A_724, %add3A_726 : vector<16xf32>
        %add3A_728 = arith.addf %mul3A_723, %add3A_727 : vector<16xf32>
        %min3A_729 = arith.minimumf %min3A_675, %add3A_728 : vector<16xf32>
        %mul3A_730 = arith.mulf %mul3A_80, %gather3A_692 : vector<16xf32>
        %mul3A_731 = arith.mulf %mul3A_86, %gather3A_702 : vector<16xf32>
        %mul3A_732 = arith.mulf %mul3A_92, %gather3A_712 : vector<16xf32>
        %add3A_733 = arith.addf %mul3A_732, %gather3A_722 : vector<16xf32>
        %add3A_734 = arith.addf %mul3A_731, %add3A_733 : vector<16xf32>
        %add3A_735 = arith.addf %mul3A_730, %add3A_734 : vector<16xf32>
        %min3A_736 = arith.minimumf %min3A_682, %add3A_735 : vector<16xf32>
        %lt3A_737 = arith.constant 0 : i32
        %lt3A_738 = vector.broadcast %lt3A_737 : i32 to vector<16xi32>
        %lt3A_739 = arith.cmpi slt, %select_n3A_117, %lt3A_738 : vector<16xi32>
        %add3A_740 = arith.constant 16 : i32
        %add3A_741 = vector.broadcast %add3A_740 : i32 to vector<16xi32>
        %add3A_742 = arith.addi %select_n3A_117, %add3A_741 : vector<16xi32>
        %select_n3A_743 = arith.select %lt3A_739, %add3A_742, %select_n3A_117 : vector<16xi1>, vector<16xi32>
        %reshape3A_744 = vector.shape_cast %select_n3A_743 : vector<16xi32> to vector<16x1xi32>
        %gather3A_745 = vector.shape_cast %reshape3A_744 : vector<16x1xi32> to vector<16xi32>
        %gather3A_746 = tpu.dynamic_gather %gather3A_692[%gather3A_745] in [0] : vector<16xf32>, vector<16xi32> -> vector<16xf32>
        %lt3A_747 = arith.constant 0 : i32
        %lt3A_748 = vector.broadcast %lt3A_747 : i32 to vector<16xi32>
        %lt3A_749 = arith.cmpi slt, %select_n3A_117, %lt3A_748 : vector<16xi32>
        %add3A_750 = arith.constant 16 : i32
        %add3A_751 = vector.broadcast %add3A_750 : i32 to vector<16xi32>
        %add3A_752 = arith.addi %select_n3A_117, %add3A_751 : vector<16xi32>
        %select_n3A_753 = arith.select %lt3A_749, %add3A_752, %select_n3A_117 : vector<16xi1>, vector<16xi32>
        %reshape3A_754 = vector.shape_cast %select_n3A_753 : vector<16xi32> to vector<16x1xi32>
        %gather3A_755 = vector.shape_cast %reshape3A_754 : vector<16x1xi32> to vector<16xi32>
        %gather3A_756 = tpu.dynamic_gather %gather3A_702[%gather3A_755] in [0] : vector<16xf32>, vector<16xi32> -> vector<16xf32>
        %lt3A_757 = arith.constant 0 : i32
        %lt3A_758 = vector.broadcast %lt3A_757 : i32 to vector<16xi32>
        %lt3A_759 = arith.cmpi slt, %select_n3A_117, %lt3A_758 : vector<16xi32>
        %add3A_760 = arith.constant 16 : i32
        %add3A_761 = vector.broadcast %add3A_760 : i32 to vector<16xi32>
        %add3A_762 = arith.addi %select_n3A_117, %add3A_761 : vector<16xi32>
        %select_n3A_763 = arith.select %lt3A_759, %add3A_762, %select_n3A_117 : vector<16xi1>, vector<16xi32>
        %reshape3A_764 = vector.shape_cast %select_n3A_763 : vector<16xi32> to vector<16x1xi32>
        %gather3A_765 = vector.shape_cast %reshape3A_764 : vector<16x1xi32> to vector<16xi32>
        %gather3A_766 = tpu.dynamic_gather %gather3A_712[%gather3A_765] in [0] : vector<16xf32>, vector<16xi32> -> vector<16xf32>
        %lt3A_767 = arith.constant 0 : i32
        %lt3A_768 = vector.broadcast %lt3A_767 : i32 to vector<16xi32>
        %lt3A_769 = arith.cmpi slt, %select_n3A_117, %lt3A_768 : vector<16xi32>
        %add3A_770 = arith.constant 16 : i32
        %add3A_771 = vector.broadcast %add3A_770 : i32 to vector<16xi32>
        %add3A_772 = arith.addi %select_n3A_117, %add3A_771 : vector<16xi32>
        %select_n3A_773 = arith.select %lt3A_769, %add3A_772, %select_n3A_117 : vector<16xi1>, vector<16xi32>
        %reshape3A_774 = vector.shape_cast %select_n3A_773 : vector<16xi32> to vector<16x1xi32>
        %gather3A_775 = vector.shape_cast %reshape3A_774 : vector<16x1xi32> to vector<16xi32>
        %gather3A_776 = tpu.dynamic_gather %gather3A_722[%gather3A_775] in [0] : vector<16xf32>, vector<16xi32> -> vector<16xf32>
        %mul3A_777 = arith.mulf %mul3A_60, %gather3A_746 : vector<16xf32>
        %mul3A_778 = arith.mulf %mul3A_66, %gather3A_756 : vector<16xf32>
        %mul3A_779 = arith.mulf %mul3A_72, %gather3A_766 : vector<16xf32>
        %add3A_780 = arith.addf %mul3A_779, %gather3A_776 : vector<16xf32>
        %add3A_781 = arith.addf %mul3A_778, %add3A_780 : vector<16xf32>
        %add3A_782 = arith.addf %mul3A_777, %add3A_781 : vector<16xf32>
        %min3A_783 = arith.minimumf %min3A_729, %add3A_782 : vector<16xf32>
        %mul3A_784 = arith.mulf %mul3A_80, %gather3A_746 : vector<16xf32>
        %mul3A_785 = arith.mulf %mul3A_86, %gather3A_756 : vector<16xf32>
        %mul3A_786 = arith.mulf %mul3A_92, %gather3A_766 : vector<16xf32>
        %add3A_787 = arith.addf %mul3A_786, %gather3A_776 : vector<16xf32>
        %add3A_788 = arith.addf %mul3A_785, %add3A_787 : vector<16xf32>
        %add3A_789 = arith.addf %mul3A_784, %add3A_788 : vector<16xf32>
        %min3A_790 = arith.minimumf %min3A_736, %add3A_789 : vector<16xf32>
        %lt3A_791 = arith.constant 0 : i32
        %lt3A_792 = vector.broadcast %lt3A_791 : i32 to vector<16xi32>
        %lt3A_793 = arith.cmpi slt, %select_n3A_117, %lt3A_792 : vector<16xi32>
        %add3A_794 = arith.constant 16 : i32
        %add3A_795 = vector.broadcast %add3A_794 : i32 to vector<16xi32>
        %add3A_796 = arith.addi %select_n3A_117, %add3A_795 : vector<16xi32>
        %select_n3A_797 = arith.select %lt3A_793, %add3A_796, %select_n3A_117 : vector<16xi1>, vector<16xi32>
        %reshape3A_798 = vector.shape_cast %select_n3A_797 : vector<16xi32> to vector<16x1xi32>
        %gather3A_799 = vector.shape_cast %reshape3A_798 : vector<16x1xi32> to vector<16xi32>
        %gather3A_800 = tpu.dynamic_gather %gather3A_746[%gather3A_799] in [0] : vector<16xf32>, vector<16xi32> -> vector<16xf32>
        %lt3A_801 = arith.constant 0 : i32
        %lt3A_802 = vector.broadcast %lt3A_801 : i32 to vector<16xi32>
        %lt3A_803 = arith.cmpi slt, %select_n3A_117, %lt3A_802 : vector<16xi32>
        %add3A_804 = arith.constant 16 : i32
        %add3A_805 = vector.broadcast %add3A_804 : i32 to vector<16xi32>
        %add3A_806 = arith.addi %select_n3A_117, %add3A_805 : vector<16xi32>
        %select_n3A_807 = arith.select %lt3A_803, %add3A_806, %select_n3A_117 : vector<16xi1>, vector<16xi32>
        %reshape3A_808 = vector.shape_cast %select_n3A_807 : vector<16xi32> to vector<16x1xi32>
        %gather3A_809 = vector.shape_cast %reshape3A_808 : vector<16x1xi32> to vector<16xi32>
        %gather3A_810 = tpu.dynamic_gather %gather3A_756[%gather3A_809] in [0] : vector<16xf32>, vector<16xi32> -> vector<16xf32>
        %lt3A_811 = arith.constant 0 : i32
        %lt3A_812 = vector.broadcast %lt3A_811 : i32 to vector<16xi32>
        %lt3A_813 = arith.cmpi slt, %select_n3A_117, %lt3A_812 : vector<16xi32>
        %add3A_814 = arith.constant 16 : i32
        %add3A_815 = vector.broadcast %add3A_814 : i32 to vector<16xi32>
        %add3A_816 = arith.addi %select_n3A_117, %add3A_815 : vector<16xi32>
        %select_n3A_817 = arith.select %lt3A_813, %add3A_816, %select_n3A_117 : vector<16xi1>, vector<16xi32>
        %reshape3A_818 = vector.shape_cast %select_n3A_817 : vector<16xi32> to vector<16x1xi32>
        %gather3A_819 = vector.shape_cast %reshape3A_818 : vector<16x1xi32> to vector<16xi32>
        %gather3A_820 = tpu.dynamic_gather %gather3A_766[%gather3A_819] in [0] : vector<16xf32>, vector<16xi32> -> vector<16xf32>
        %lt3A_821 = arith.constant 0 : i32
        %lt3A_822 = vector.broadcast %lt3A_821 : i32 to vector<16xi32>
        %lt3A_823 = arith.cmpi slt, %select_n3A_117, %lt3A_822 : vector<16xi32>
        %add3A_824 = arith.constant 16 : i32
        %add3A_825 = vector.broadcast %add3A_824 : i32 to vector<16xi32>
        %add3A_826 = arith.addi %select_n3A_117, %add3A_825 : vector<16xi32>
        %select_n3A_827 = arith.select %lt3A_823, %add3A_826, %select_n3A_117 : vector<16xi1>, vector<16xi32>
        %reshape3A_828 = vector.shape_cast %select_n3A_827 : vector<16xi32> to vector<16x1xi32>
        %gather3A_829 = vector.shape_cast %reshape3A_828 : vector<16x1xi32> to vector<16xi32>
        %gather3A_830 = tpu.dynamic_gather %gather3A_776[%gather3A_829] in [0] : vector<16xf32>, vector<16xi32> -> vector<16xf32>
        %mul3A_831 = arith.mulf %mul3A_60, %gather3A_800 : vector<16xf32>
        %mul3A_832 = arith.mulf %mul3A_66, %gather3A_810 : vector<16xf32>
        %mul3A_833 = arith.mulf %mul3A_72, %gather3A_820 : vector<16xf32>
        %add3A_834 = arith.addf %mul3A_833, %gather3A_830 : vector<16xf32>
        %add3A_835 = arith.addf %mul3A_832, %add3A_834 : vector<16xf32>
        %add3A_836 = arith.addf %mul3A_831, %add3A_835 : vector<16xf32>
        %min3A_837 = arith.minimumf %min3A_783, %add3A_836 : vector<16xf32>
        %mul3A_838 = arith.mulf %mul3A_80, %gather3A_800 : vector<16xf32>
        %mul3A_839 = arith.mulf %mul3A_86, %gather3A_810 : vector<16xf32>
        %mul3A_840 = arith.mulf %mul3A_92, %gather3A_820 : vector<16xf32>
        %add3A_841 = arith.addf %mul3A_840, %gather3A_830 : vector<16xf32>
        %add3A_842 = arith.addf %mul3A_839, %add3A_841 : vector<16xf32>
        %add3A_843 = arith.addf %mul3A_838, %add3A_842 : vector<16xf32>
        %min3A_844 = arith.minimumf %min3A_790, %add3A_843 : vector<16xf32>
        %lt3A_845 = arith.constant 0 : i32
        %lt3A_846 = vector.broadcast %lt3A_845 : i32 to vector<16xi32>
        %lt3A_847 = arith.cmpi slt, %select_n3A_117, %lt3A_846 : vector<16xi32>
        %add3A_848 = arith.constant 16 : i32
        %add3A_849 = vector.broadcast %add3A_848 : i32 to vector<16xi32>
        %add3A_850 = arith.addi %select_n3A_117, %add3A_849 : vector<16xi32>
        %select_n3A_851 = arith.select %lt3A_847, %add3A_850, %select_n3A_117 : vector<16xi1>, vector<16xi32>
        %reshape3A_852 = vector.shape_cast %select_n3A_851 : vector<16xi32> to vector<16x1xi32>
        %gather3A_853 = vector.shape_cast %reshape3A_852 : vector<16x1xi32> to vector<16xi32>
        %gather3A_854 = tpu.dynamic_gather %gather3A_800[%gather3A_853] in [0] : vector<16xf32>, vector<16xi32> -> vector<16xf32>
        %lt3A_855 = arith.constant 0 : i32
        %lt3A_856 = vector.broadcast %lt3A_855 : i32 to vector<16xi32>
        %lt3A_857 = arith.cmpi slt, %select_n3A_117, %lt3A_856 : vector<16xi32>
        %add3A_858 = arith.constant 16 : i32
        %add3A_859 = vector.broadcast %add3A_858 : i32 to vector<16xi32>
        %add3A_860 = arith.addi %select_n3A_117, %add3A_859 : vector<16xi32>
        %select_n3A_861 = arith.select %lt3A_857, %add3A_860, %select_n3A_117 : vector<16xi1>, vector<16xi32>
        %reshape3A_862 = vector.shape_cast %select_n3A_861 : vector<16xi32> to vector<16x1xi32>
        %gather3A_863 = vector.shape_cast %reshape3A_862 : vector<16x1xi32> to vector<16xi32>
        %gather3A_864 = tpu.dynamic_gather %gather3A_810[%gather3A_863] in [0] : vector<16xf32>, vector<16xi32> -> vector<16xf32>
        %lt3A_865 = arith.constant 0 : i32
        %lt3A_866 = vector.broadcast %lt3A_865 : i32 to vector<16xi32>
        %lt3A_867 = arith.cmpi slt, %select_n3A_117, %lt3A_866 : vector<16xi32>
        %add3A_868 = arith.constant 16 : i32
        %add3A_869 = vector.broadcast %add3A_868 : i32 to vector<16xi32>
        %add3A_870 = arith.addi %select_n3A_117, %add3A_869 : vector<16xi32>
        %select_n3A_871 = arith.select %lt3A_867, %add3A_870, %select_n3A_117 : vector<16xi1>, vector<16xi32>
        %reshape3A_872 = vector.shape_cast %select_n3A_871 : vector<16xi32> to vector<16x1xi32>
        %gather3A_873 = vector.shape_cast %reshape3A_872 : vector<16x1xi32> to vector<16xi32>
        %gather3A_874 = tpu.dynamic_gather %gather3A_820[%gather3A_873] in [0] : vector<16xf32>, vector<16xi32> -> vector<16xf32>
        %lt3A_875 = arith.constant 0 : i32
        %lt3A_876 = vector.broadcast %lt3A_875 : i32 to vector<16xi32>
        %lt3A_877 = arith.cmpi slt, %select_n3A_117, %lt3A_876 : vector<16xi32>
        %add3A_878 = arith.constant 16 : i32
        %add3A_879 = vector.broadcast %add3A_878 : i32 to vector<16xi32>
        %add3A_880 = arith.addi %select_n3A_117, %add3A_879 : vector<16xi32>
        %select_n3A_881 = arith.select %lt3A_877, %add3A_880, %select_n3A_117 : vector<16xi1>, vector<16xi32>
        %reshape3A_882 = vector.shape_cast %select_n3A_881 : vector<16xi32> to vector<16x1xi32>
        %gather3A_883 = vector.shape_cast %reshape3A_882 : vector<16x1xi32> to vector<16xi32>
        %gather3A_884 = tpu.dynamic_gather %gather3A_830[%gather3A_883] in [0] : vector<16xf32>, vector<16xi32> -> vector<16xf32>
        %mul3A_885 = arith.mulf %mul3A_60, %gather3A_854 : vector<16xf32>
        %mul3A_886 = arith.mulf %mul3A_66, %gather3A_864 : vector<16xf32>
        %mul3A_887 = arith.mulf %mul3A_72, %gather3A_874 : vector<16xf32>
        %add3A_888 = arith.addf %mul3A_887, %gather3A_884 : vector<16xf32>
        %add3A_889 = arith.addf %mul3A_886, %add3A_888 : vector<16xf32>
        %add3A_890 = arith.addf %mul3A_885, %add3A_889 : vector<16xf32>
        %min3A_891 = arith.minimumf %min3A_837, %add3A_890 : vector<16xf32>
        %mul3A_892 = arith.mulf %mul3A_80, %gather3A_854 : vector<16xf32>
        %mul3A_893 = arith.mulf %mul3A_86, %gather3A_864 : vector<16xf32>
        %mul3A_894 = arith.mulf %mul3A_92, %gather3A_874 : vector<16xf32>
        %add3A_895 = arith.addf %mul3A_894, %gather3A_884 : vector<16xf32>
        %add3A_896 = arith.addf %mul3A_893, %add3A_895 : vector<16xf32>
        %add3A_897 = arith.addf %mul3A_892, %add3A_896 : vector<16xf32>
        %min3A_898 = arith.minimumf %min3A_844, %add3A_897 : vector<16xf32>
        %lt3A_899 = arith.constant 0 : i32
        %lt3A_900 = vector.broadcast %lt3A_899 : i32 to vector<16xi32>
        %lt3A_901 = arith.cmpi slt, %select_n3A_117, %lt3A_900 : vector<16xi32>
        %add3A_902 = arith.constant 16 : i32
        %add3A_903 = vector.broadcast %add3A_902 : i32 to vector<16xi32>
        %add3A_904 = arith.addi %select_n3A_117, %add3A_903 : vector<16xi32>
        %select_n3A_905 = arith.select %lt3A_901, %add3A_904, %select_n3A_117 : vector<16xi1>, vector<16xi32>
        %reshape3A_906 = vector.shape_cast %select_n3A_905 : vector<16xi32> to vector<16x1xi32>
        %gather3A_907 = vector.shape_cast %reshape3A_906 : vector<16x1xi32> to vector<16xi32>
        %gather3A_908 = tpu.dynamic_gather %gather3A_854[%gather3A_907] in [0] : vector<16xf32>, vector<16xi32> -> vector<16xf32>
        %lt3A_909 = arith.constant 0 : i32
        %lt3A_910 = vector.broadcast %lt3A_909 : i32 to vector<16xi32>
        %lt3A_911 = arith.cmpi slt, %select_n3A_117, %lt3A_910 : vector<16xi32>
        %add3A_912 = arith.constant 16 : i32
        %add3A_913 = vector.broadcast %add3A_912 : i32 to vector<16xi32>
        %add3A_914 = arith.addi %select_n3A_117, %add3A_913 : vector<16xi32>
        %select_n3A_915 = arith.select %lt3A_911, %add3A_914, %select_n3A_117 : vector<16xi1>, vector<16xi32>
        %reshape3A_916 = vector.shape_cast %select_n3A_915 : vector<16xi32> to vector<16x1xi32>
        %gather3A_917 = vector.shape_cast %reshape3A_916 : vector<16x1xi32> to vector<16xi32>
        %gather3A_918 = tpu.dynamic_gather %gather3A_864[%gather3A_917] in [0] : vector<16xf32>, vector<16xi32> -> vector<16xf32>
        %lt3A_919 = arith.constant 0 : i32
        %lt3A_920 = vector.broadcast %lt3A_919 : i32 to vector<16xi32>
        %lt3A_921 = arith.cmpi slt, %select_n3A_117, %lt3A_920 : vector<16xi32>
        %add3A_922 = arith.constant 16 : i32
        %add3A_923 = vector.broadcast %add3A_922 : i32 to vector<16xi32>
        %add3A_924 = arith.addi %select_n3A_117, %add3A_923 : vector<16xi32>
        %select_n3A_925 = arith.select %lt3A_921, %add3A_924, %select_n3A_117 : vector<16xi1>, vector<16xi32>
        %reshape3A_926 = vector.shape_cast %select_n3A_925 : vector<16xi32> to vector<16x1xi32>
        %gather3A_927 = vector.shape_cast %reshape3A_926 : vector<16x1xi32> to vector<16xi32>
        %gather3A_928 = tpu.dynamic_gather %gather3A_874[%gather3A_927] in [0] : vector<16xf32>, vector<16xi32> -> vector<16xf32>
        %lt3A_929 = arith.constant 0 : i32
        %lt3A_930 = vector.broadcast %lt3A_929 : i32 to vector<16xi32>
        %lt3A_931 = arith.cmpi slt, %select_n3A_117, %lt3A_930 : vector<16xi32>
        %add3A_932 = arith.constant 16 : i32
        %add3A_933 = vector.broadcast %add3A_932 : i32 to vector<16xi32>
        %add3A_934 = arith.addi %select_n3A_117, %add3A_933 : vector<16xi32>
        %select_n3A_935 = arith.select %lt3A_931, %add3A_934, %select_n3A_117 : vector<16xi1>, vector<16xi32>
        %reshape3A_936 = vector.shape_cast %select_n3A_935 : vector<16xi32> to vector<16x1xi32>
        %gather3A_937 = vector.shape_cast %reshape3A_936 : vector<16x1xi32> to vector<16xi32>
        %gather3A_938 = tpu.dynamic_gather %gather3A_884[%gather3A_937] in [0] : vector<16xf32>, vector<16xi32> -> vector<16xf32>
        %mul3A_939 = arith.mulf %mul3A_60, %gather3A_908 : vector<16xf32>
        %mul3A_940 = arith.mulf %mul3A_66, %gather3A_918 : vector<16xf32>
        %mul3A_941 = arith.mulf %mul3A_72, %gather3A_928 : vector<16xf32>
        %add3A_942 = arith.addf %mul3A_941, %gather3A_938 : vector<16xf32>
        %add3A_943 = arith.addf %mul3A_940, %add3A_942 : vector<16xf32>
        %add3A_944 = arith.addf %mul3A_939, %add3A_943 : vector<16xf32>
        %min3A_945 = arith.minimumf %min3A_891, %add3A_944 : vector<16xf32>
        %mul3A_946 = arith.mulf %mul3A_80, %gather3A_908 : vector<16xf32>
        %mul3A_947 = arith.mulf %mul3A_86, %gather3A_918 : vector<16xf32>
        %mul3A_948 = arith.mulf %mul3A_92, %gather3A_928 : vector<16xf32>
        %add3A_949 = arith.addf %mul3A_948, %gather3A_938 : vector<16xf32>
        %add3A_950 = arith.addf %mul3A_947, %add3A_949 : vector<16xf32>
        %add3A_951 = arith.addf %mul3A_946, %add3A_950 : vector<16xf32>
        %min3A_952 = arith.minimumf %min3A_898, %add3A_951 : vector<16xf32>
        %lt3A_953 = arith.constant 0 : i32
        %lt3A_954 = vector.broadcast %lt3A_953 : i32 to vector<16xi32>
        %lt3A_955 = arith.cmpi slt, %select_n3A_117, %lt3A_954 : vector<16xi32>
        %add3A_956 = arith.constant 16 : i32
        %add3A_957 = vector.broadcast %add3A_956 : i32 to vector<16xi32>
        %add3A_958 = arith.addi %select_n3A_117, %add3A_957 : vector<16xi32>
        %select_n3A_959 = arith.select %lt3A_955, %add3A_958, %select_n3A_117 : vector<16xi1>, vector<16xi32>
        %reshape3A_960 = vector.shape_cast %select_n3A_959 : vector<16xi32> to vector<16x1xi32>
        %gather3A_961 = vector.shape_cast %reshape3A_960 : vector<16x1xi32> to vector<16xi32>
        %gather3A_962 = tpu.dynamic_gather %gather3A_908[%gather3A_961] in [0] : vector<16xf32>, vector<16xi32> -> vector<16xf32>
        %lt3A_963 = arith.constant 0 : i32
        %lt3A_964 = vector.broadcast %lt3A_963 : i32 to vector<16xi32>
        %lt3A_965 = arith.cmpi slt, %select_n3A_117, %lt3A_964 : vector<16xi32>
        %add3A_966 = arith.constant 16 : i32
        %add3A_967 = vector.broadcast %add3A_966 : i32 to vector<16xi32>
        %add3A_968 = arith.addi %select_n3A_117, %add3A_967 : vector<16xi32>
        %select_n3A_969 = arith.select %lt3A_965, %add3A_968, %select_n3A_117 : vector<16xi1>, vector<16xi32>
        %reshape3A_970 = vector.shape_cast %select_n3A_969 : vector<16xi32> to vector<16x1xi32>
        %gather3A_971 = vector.shape_cast %reshape3A_970 : vector<16x1xi32> to vector<16xi32>
        %gather3A_972 = tpu.dynamic_gather %gather3A_918[%gather3A_971] in [0] : vector<16xf32>, vector<16xi32> -> vector<16xf32>
        %lt3A_973 = arith.constant 0 : i32
        %lt3A_974 = vector.broadcast %lt3A_973 : i32 to vector<16xi32>
        %lt3A_975 = arith.cmpi slt, %select_n3A_117, %lt3A_974 : vector<16xi32>
        %add3A_976 = arith.constant 16 : i32
        %add3A_977 = vector.broadcast %add3A_976 : i32 to vector<16xi32>
        %add3A_978 = arith.addi %select_n3A_117, %add3A_977 : vector<16xi32>
        %select_n3A_979 = arith.select %lt3A_975, %add3A_978, %select_n3A_117 : vector<16xi1>, vector<16xi32>
        %reshape3A_980 = vector.shape_cast %select_n3A_979 : vector<16xi32> to vector<16x1xi32>
        %gather3A_981 = vector.shape_cast %reshape3A_980 : vector<16x1xi32> to vector<16xi32>
        %gather3A_982 = tpu.dynamic_gather %gather3A_928[%gather3A_981] in [0] : vector<16xf32>, vector<16xi32> -> vector<16xf32>
        %lt3A_983 = arith.constant 0 : i32
        %lt3A_984 = vector.broadcast %lt3A_983 : i32 to vector<16xi32>
        %lt3A_985 = arith.cmpi slt, %select_n3A_117, %lt3A_984 : vector<16xi32>
        %add3A_986 = arith.constant 16 : i32
        %add3A_987 = vector.broadcast %add3A_986 : i32 to vector<16xi32>
        %add3A_988 = arith.addi %select_n3A_117, %add3A_987 : vector<16xi32>
        %select_n3A_989 = arith.select %lt3A_985, %add3A_988, %select_n3A_117 : vector<16xi1>, vector<16xi32>
        %reshape3A_990 = vector.shape_cast %select_n3A_989 : vector<16xi32> to vector<16x1xi32>
        %gather3A_991 = vector.shape_cast %reshape3A_990 : vector<16x1xi32> to vector<16xi32>
        %gather3A_992 = tpu.dynamic_gather %gather3A_938[%gather3A_991] in [0] : vector<16xf32>, vector<16xi32> -> vector<16xf32>
        %mul3A_993 = arith.mulf %mul3A_60, %gather3A_962 : vector<16xf32>
        %mul3A_994 = arith.mulf %mul3A_66, %gather3A_972 : vector<16xf32>
        %mul3A_995 = arith.mulf %mul3A_72, %gather3A_982 : vector<16xf32>
        %add3A_996 = arith.addf %mul3A_995, %gather3A_992 : vector<16xf32>
        %add3A_997 = arith.addf %mul3A_994, %add3A_996 : vector<16xf32>
        %add3A_998 = arith.addf %mul3A_993, %add3A_997 : vector<16xf32>
        %min3A_999 = arith.minimumf %min3A_945, %add3A_998 : vector<16xf32>
        %mul3A_1000 = arith.mulf %mul3A_80, %gather3A_962 : vector<16xf32>
        %mul3A_1001 = arith.mulf %mul3A_86, %gather3A_972 : vector<16xf32>
        %mul3A_1002 = arith.mulf %mul3A_92, %gather3A_982 : vector<16xf32>
        %add3A_1003 = arith.addf %mul3A_1002, %gather3A_992 : vector<16xf32>
        %add3A_1004 = arith.addf %mul3A_1001, %add3A_1003 : vector<16xf32>
        %add3A_1005 = arith.addf %mul3A_1000, %add3A_1004 : vector<16xf32>
        %min3A_1006 = arith.minimumf %min3A_952, %add3A_1005 : vector<16xf32>
        scf.yield %min3A_999, %min3A_1006 : vector<16xf32>, vector<16xf32>
      }
      %scan3A_126 = arith.constant 128 : i32
      %add3A_127 = arith.constant 0 : i32
      %add3A_128 = arith.addi %mul3A_53, %add3A_127 : i32
      %get3A_129 = arith.index_cast %add3A_128 : i32 to index
      %get3A_130 = tpu.vector_load %arg5[%get3A_129] {strides = array<i32>} : memref<128xf32, #tpu.memory_space<vmem>>, vector<16xf32>,
      %get3A_131 = vector.shape_cast %get3A_130 : vector<16xf32> to vector<16xf32>
      %get3A_132 = arith.index_cast %add3A_128 : i32 to index
      %get3A_133 = tpu.vector_load %arg6[%get3A_132] {strides = array<i32>} : memref<128xf32, #tpu.memory_space<vmem>>, vector<16xf32>,
      %get3A_134 = vector.shape_cast %get3A_133 : vector<16xf32> to vector<16xf32>
      %get3A_135 = arith.index_cast %add3A_128 : i32 to index
      %get3A_136 = tpu.vector_load %arg7[%get3A_135] {strides = array<i32>} : memref<128xf32, #tpu.memory_space<vmem>>, vector<16xf32>,
      %get3A_137 = vector.shape_cast %get3A_136 : vector<16xf32> to vector<16xf32>
      %mul3A_138 = arith.mulf %get3A_131, %get3A_131 : vector<16xf32>
      %mul3A_139 = arith.mulf %get3A_134, %get3A_134 : vector<16xf32>
      %add3A_140 = arith.addf %mul3A_138, %mul3A_139 : vector<16xf32>
      %mul3A_141 = arith.mulf %get3A_137, %get3A_137 : vector<16xf32>
      %add3A_142 = arith.addf %add3A_140, %mul3A_141 : vector<16xf32>
      %add3A_143 = arith.addf %add3A_142, %scan3A_125#0 : vector<16xf32>
      %swap3A = arith.index_cast %add3A_128 : i32 to index
      %swap3A_144 = tpu.vector_load %arg12[%swap3A] {strides = array<i32>} : memref<128xf32, #tpu.memory_space<vmem>>, vector<16xf32>,
      %swap3A_145 = vector.shape_cast %swap3A_144 : vector<16xf32> to vector<16xf32>
      %swap3A_146 = vector.shape_cast %add3A_143 : vector<16xf32> to vector<16xf32>
      tpu.vector_store %arg12[%swap3A], %swap3A_146 {strides = array<i32>} : memref<128xf32, #tpu.memory_space<vmem>>, vector<16xf32>,
      %add3A_147 = arith.constant 16 : i32
      %add3A_148 = arith.addi %mul3A_53, %add3A_147 : i32
      %get3A_149 = arith.index_cast %add3A_148 : i32 to index
      %get3A_150 = tpu.vector_load %arg5[%get3A_149] {strides = array<i32>} : memref<128xf32, #tpu.memory_space<vmem>>, vector<16xf32>,
      %get3A_151 = vector.shape_cast %get3A_150 : vector<16xf32> to vector<16xf32>
      %get3A_152 = arith.index_cast %add3A_148 : i32 to index
      %get3A_153 = tpu.vector_load %arg6[%get3A_152] {strides = array<i32>} : memref<128xf32, #tpu.memory_space<vmem>>, vector<16xf32>,
      %get3A_154 = vector.shape_cast %get3A_153 : vector<16xf32> to vector<16xf32>
      %get3A_155 = arith.index_cast %add3A_148 : i32 to index
      %get3A_156 = tpu.vector_load %arg7[%get3A_155] {strides = array<i32>} : memref<128xf32, #tpu.memory_space<vmem>>, vector<16xf32>,
      %get3A_157 = vector.shape_cast %get3A_156 : vector<16xf32> to vector<16xf32>
      %mul3A_158 = arith.mulf %get3A_151, %get3A_151 : vector<16xf32>
      %mul3A_159 = arith.mulf %get3A_154, %get3A_154 : vector<16xf32>
      %add3A_160 = arith.addf %mul3A_158, %mul3A_159 : vector<16xf32>
      %mul3A_161 = arith.mulf %get3A_157, %get3A_157 : vector<16xf32>
      %add3A_162 = arith.addf %add3A_160, %mul3A_161 : vector<16xf32>
      %add3A_163 = arith.addf %add3A_162, %scan3A_125#1 : vector<16xf32>
      %swap3A_164 = arith.index_cast %add3A_148 : i32 to index
      %swap3A_165 = tpu.vector_load %arg12[%swap3A_164] {strides = array<i32>} : memref<128xf32, #tpu.memory_space<vmem>>, vector<16xf32>,
      %swap3A_166 = vector.shape_cast %swap3A_165 : vector<16xf32> to vector<16xf32>
      %swap3A_167 = vector.shape_cast %add3A_163 : vector<16xf32> to vector<16xf32>
      tpu.vector_store %arg12[%swap3A_164], %swap3A_167 {strides = array<i32>} : memref<128xf32, #tpu.memory_space<vmem>>, vector<16xf32>,
      %scan3A_168 = arith.constant 0 : i32
      scf.yield %scan3A_168 : i32
    }
    %scan3A_49 = arith.constant 4 : i32
    "tpu.region"() ({
      %run_scoped3A = tpu.sem_alloc : memref<!tpu.dma_semaphore, #tpu.memory_space<semaphore_mem>>
      %dma_start3A = arith.constant 0 : i32
      %dma_start3A_50 = tpu.memref_slice %arg4[%add3A, %dma_start3A] : memref<32x128xf32, #tpu.memory_space<hbm>> -> memref<1x128xf32, #tpu.memory_space<hbm>>
      %dma_start3A_51 = tpu.memref_squeeze %dma_start3A_50 : memref<1x128xf32, #tpu.memory_space<hbm>> -> memref<128xf32, #tpu.memory_space<hbm>>
      %dma_start3A_52 = arith.constant 0 : i32
      %dma_start3A_53 = tpu.memref_slice %arg4[%add3A, %dma_start3A_52] : memref<32x128xf32, #tpu.memory_space<hbm>> -> memref<1x128xf32, #tpu.memory_space<hbm>>
      %dma_start3A_54 = tpu.memref_squeeze %dma_start3A_53 : memref<1x128xf32, #tpu.memory_space<hbm>> -> memref<128xf32, #tpu.memory_space<hbm>>
      tpu.enqueue_dma source(%arg12 : memref<128xf32, #tpu.memory_space<vmem>>) target(%dma_start3A_54 : memref<128xf32, #tpu.memory_space<hbm>>) target_semaphore(%run_scoped3A : memref<!tpu.dma_semaphore, #tpu.memory_space<semaphore_mem>>)
      %dma_wait3A = arith.constant 0 : i32
      %dma_wait3A_55 = tpu.memref_slice %arg4[%add3A, %dma_wait3A] : memref<32x128xf32, #tpu.memory_space<hbm>> -> memref<1x128xf32, #tpu.memory_space<hbm>>
      %dma_wait3A_56 = tpu.memref_squeeze %dma_wait3A_55 : memref<1x128xf32, #tpu.memory_space<hbm>> -> memref<128xf32, #tpu.memory_space<hbm>>
      %dma_wait3A_57 = arith.constant 0 : i32
      %dma_wait3A_58 = tpu.memref_slice %arg4[%add3A, %dma_wait3A_57] : memref<32x128xf32, #tpu.memory_space<hbm>> -> memref<1x128xf32, #tpu.memory_space<hbm>>
      %dma_wait3A_59 = tpu.memref_squeeze %dma_wait3A_58 : memref<1x128xf32, #tpu.memory_space<hbm>> -> memref<128xf32, #tpu.memory_space<hbm>>
      tpu.wait_dma2 semaphore(%run_scoped3A : memref<!tpu.dma_semaphore, #tpu.memory_space<semaphore_mem>>) src(%arg12 : memref<128xf32, #tpu.memory_space<vmem>>) dst(%dma_wait3A_59 : memref<128xf32, #tpu.memory_space<hbm>>)
      tpu.yield
    }) : () -> ()
    return
  }
}

module attributes {stable_mosaic.version = 14 : i64} {
  func.func @_tc_body(%arg0: i32, %arg1: memref<1x2048x3xf32, #tpu.memory_space<vmem>>, %arg2: memref<1x3x2048xf32, #tpu.memory_space<vmem>>, %arg3: memref<1x1xf32, #tpu.memory_space<smem>>) attributes {dimension_semantics = [#tpu.dimension_semantics<arbitrary>], iteration_bounds = array<i64: 7>, scalar_prefetch = 0 : i64, scratch_operands = 0 : i64, tpu.core_type = #tpu.core_type<tc>, window_params = [{transform_indices = @transform_0, window_bounds = array<i64: 1, 2048, 3>}, {transform_indices = @transform_1, window_bounds = array<i64: 1, 3, 2048>}, {transform_indices = @transform_2, window_bounds = array<i64: 1, 1>}]} {
    %get3A = arith.constant 0 : index
    %get3A_0 = arith.constant 0 : index
    %get3A_1 = arith.constant 0 : index
    %get3A_2 = vector.load %arg1[%get3A, %get3A_0, %get3A_1] : memref<1x2048x3xf32, #tpu.memory_space<vmem>>, vector<1x2048x3xf32>
    %get3A_3 = vector.shape_cast %get3A_2 : vector<1x2048x3xf32> to vector<2048x3xf32>
    %get3A_4 = arith.constant 0 : index
    %get3A_5 = arith.constant 0 : index
    %get3A_6 = arith.constant 0 : index
    %get3A_7 = vector.load %arg2[%get3A_4, %get3A_5, %get3A_6] : memref<1x3x2048xf32, #tpu.memory_space<vmem>>, vector<1x3x2048xf32>
    %get3A_8 = vector.shape_cast %get3A_7 : vector<1x3x2048xf32> to vector<3x2048xf32>
    %slice3A = vector.extract_strided_slice %get3A_3 {offsets = [0, 0], sizes = [2048, 1], strides = [1, 1]} : vector<2048x3xf32> to vector<2048x1xf32>
    %slice3A_9 = vector.extract_strided_slice %get3A_8 {offsets = [0, 0], sizes = [1, 2048], strides = [1, 1]} : vector<3x2048xf32> to vector<1x2048xf32>
    %sub3A = vector.broadcast %slice3A : vector<2048x1xf32> to vector<2048x2048xf32>
    %sub3A_10 = vector.broadcast %slice3A_9 : vector<1x2048xf32> to vector<2048x2048xf32>
    %sub3A_11 = arith.subf %sub3A, %sub3A_10 : vector<2048x2048xf32>
    %slice3A_12 = vector.extract_strided_slice %get3A_3 {offsets = [0, 1], sizes = [2048, 1], strides = [1, 1]} : vector<2048x3xf32> to vector<2048x1xf32>
    %slice3A_13 = vector.extract_strided_slice %get3A_8 {offsets = [1, 0], sizes = [1, 2048], strides = [1, 1]} : vector<3x2048xf32> to vector<1x2048xf32>
    %sub3A_14 = vector.broadcast %slice3A_12 : vector<2048x1xf32> to vector<2048x2048xf32>
    %sub3A_15 = vector.broadcast %slice3A_13 : vector<1x2048xf32> to vector<2048x2048xf32>
    %sub3A_16 = arith.subf %sub3A_14, %sub3A_15 : vector<2048x2048xf32>
    %slice3A_17 = vector.extract_strided_slice %get3A_3 {offsets = [0, 2], sizes = [2048, 1], strides = [1, 1]} : vector<2048x3xf32> to vector<2048x1xf32>
    %slice3A_18 = vector.extract_strided_slice %get3A_8 {offsets = [2, 0], sizes = [1, 2048], strides = [1, 1]} : vector<3x2048xf32> to vector<1x2048xf32>
    %sub3A_19 = vector.broadcast %slice3A_17 : vector<2048x1xf32> to vector<2048x2048xf32>
    %sub3A_20 = vector.broadcast %slice3A_18 : vector<1x2048xf32> to vector<2048x2048xf32>
    %sub3A_21 = arith.subf %sub3A_19, %sub3A_20 : vector<2048x2048xf32>
    %mul3A = arith.mulf %sub3A_11, %sub3A_11 : vector<2048x2048xf32>
    %mul3A_22 = arith.mulf %sub3A_16, %sub3A_16 : vector<2048x2048xf32>
    %add3A = arith.addf %mul3A, %mul3A_22 : vector<2048x2048xf32>
    %mul3A_23 = arith.mulf %sub3A_21, %sub3A_21 : vector<2048x2048xf32>
    %add3A_24 = arith.addf %add3A, %mul3A_23 : vector<2048x2048xf32>
    %reduce_min3A = arith.constant dense<0x7F800000> : vector<2048xf32>
    %reduce_min3A_25 = vector.multi_reduction <minimumf>, %add3A_24, %reduce_min3A [1] : vector<2048x2048xf32> to vector<2048xf32>
    %reduce_min3A_26 = arith.constant dense<0x7F800000> : vector<2048xf32>
    %reduce_min3A_27 = vector.multi_reduction <minimumf>, %add3A_24, %reduce_min3A_26 [0] : vector<2048x2048xf32> to vector<2048xf32>
    %max3A = arith.constant 0.000000e+00 : f32
    %max3A_28 = vector.broadcast %max3A : f32 to vector<2048xf32>
    %max3A_29 = arith.maximumf %reduce_min3A_25, %max3A_28 : vector<2048xf32>
    %sqrt3A = math.sqrt %max3A_29 : vector<2048xf32>
    %reduce_sum3A = vector.shape_cast %sqrt3A : vector<2048xf32> to vector<1x2048xf32>
    %reduce_sum3A_30 = arith.constant dense<0.000000e+00> : vector<1xf32>
    %reduce_sum3A_31 = vector.multi_reduction <add>, %reduce_sum3A, %reduce_sum3A_30 [1] : vector<1x2048xf32> to vector<1xf32>
    %reduce_sum3A_32 = vector.shape_cast %reduce_sum3A_31 : vector<1xf32> to vector<1x1xf32>
    %reduce_sum3A_33 = vector.extract %reduce_sum3A_32[0, 0] : f32 from vector<1x1xf32>
    %max3A_34 = arith.constant 0.000000e+00 : f32
    %max3A_35 = vector.broadcast %max3A_34 : f32 to vector<2048xf32>
    %max3A_36 = arith.maximumf %reduce_min3A_27, %max3A_35 : vector<2048xf32>
    %sqrt3A_37 = math.sqrt %max3A_36 : vector<2048xf32>
    %reduce_sum3A_38 = vector.shape_cast %sqrt3A_37 : vector<2048xf32> to vector<1x2048xf32>
    %reduce_sum3A_39 = arith.constant dense<0.000000e+00> : vector<1xf32>
    %reduce_sum3A_40 = vector.multi_reduction <add>, %reduce_sum3A_38, %reduce_sum3A_39 [1] : vector<1x2048xf32> to vector<1xf32>
    %reduce_sum3A_41 = vector.shape_cast %reduce_sum3A_40 : vector<1xf32> to vector<1x1xf32>
    %reduce_sum3A_42 = vector.extract %reduce_sum3A_41[0, 0] : f32 from vector<1x1xf32>
    %add3A_43 = arith.addf %reduce_sum3A_33, %reduce_sum3A_42 : f32
    %eq3A = arith.constant 0 : i32
    %eq3A_44 = arith.cmpi eq, %arg0, %eq3A : i32
    %convert_element_type3A = arith.extui %eq3A_44 : i1 to i32
    %cond3A = arith.constant 0 : i32
    %cond3A_45 = arith.cmpi ne, %convert_element_type3A, %cond3A : i32
    scf.if %cond3A_45 {
      %swap3A_52 = arith.constant 0.000000e+00 : f32
      %swap3A_53 = arith.constant 0 : index
      %swap3A_54 = arith.constant 0 : index
      %swap3A_55 = memref.load %arg3[%swap3A_53, %swap3A_54] : memref<1x1xf32, #tpu.memory_space<smem>>
      memref.store %swap3A_52, %arg3[%swap3A_53, %swap3A_54] : memref<1x1xf32, #tpu.memory_space<smem>>
    } else {
    }
    %get3A_46 = arith.constant 0 : index
    %get3A_47 = arith.constant 0 : index
    %get3A_48 = memref.load %arg3[%get3A_46, %get3A_47] : memref<1x1xf32, #tpu.memory_space<smem>>
    %add3A_49 = arith.addf %get3A_48, %add3A_43 : f32
    %swap3A = arith.constant 0 : index
    %swap3A_50 = arith.constant 0 : index
    %swap3A_51 = memref.load %arg3[%swap3A, %swap3A_50] : memref<1x1xf32, #tpu.memory_space<smem>>
    memref.store %add3A_49, %arg3[%swap3A, %swap3A_50] : memref<1x1xf32, #tpu.memory_space<smem>>
    return
  }
  func.func @transform_0(%arg0: i32) -> (i32, i32, i32) {
    %c0_i32 = arith.constant 0 : i32
    %c0_i32_0 = arith.constant 0 : i32
    %c0_i32_1 = arith.constant 0 : i32
    return %arg0, %c0_i32, %c0_i32_0 : i32, i32, i32
  }
  func.func @transform_1(%arg0: i32) -> (i32, i32, i32) {
    %c0_i32 = arith.constant 0 : i32
    %c0_i32_0 = arith.constant 0 : i32
    %c0_i32_1 = arith.constant 0 : i32
    return %arg0, %c0_i32, %c0_i32_0 : i32, i32, i32
  }
  func.func @transform_2(%arg0: i32) -> (i32, i32) {
    %c0_i32 = arith.constant 0 : i32
    %c0_i32_0 = arith.constant 0 : i32
    %c0_i32_1 = arith.constant 0 : i32
    return %c0_i32, %c0_i32_0 : i32, i32
  }
}

module attributes {stable_mosaic.version = 14 : i64} {
  func.func @_sc_finish(%arg0: memref<32x128xf32, #tpu.memory_space<vmem>>, %arg1: memref<1x1xf32, #tpu.memory_space<smem>>) attributes {dimension_semantics = [], scalar_prefetch = 0 : i64, scratch_operands = 0 : i64, tpu.core_type = #tpu.core_type<tc>} {
    %get3A = arith.constant 0 : index
    %get3A_0 = arith.constant 0 : index
    %get3A_1 = vector.load %arg0[%get3A, %get3A_0] : memref<32x128xf32, #tpu.memory_space<vmem>>, vector<32x128xf32>
    %max3A = arith.constant 0.000000e+00 : f32
    %max3A_2 = vector.broadcast %max3A : f32 to vector<32x128xf32>
    %max3A_3 = arith.maximumf %get3A_1, %max3A_2 : vector<32x128xf32>
    %sqrt3A = math.sqrt %max3A_3 : vector<32x128xf32>
    %reduce_sum3A = vector.shape_cast %sqrt3A : vector<32x128xf32> to vector<1x32x128xf32>
    %reduce_sum3A_4 = arith.constant dense<0.000000e+00> : vector<1xf32>
    %reduce_sum3A_5 = vector.multi_reduction <add>, %reduce_sum3A, %reduce_sum3A_4 [1, 2] : vector<1x32x128xf32> to vector<1xf32>
    %reduce_sum3A_6 = vector.shape_cast %reduce_sum3A_5 : vector<1xf32> to vector<1x1x1xf32>
    %reduce_sum3A_7 = vector.extract %reduce_sum3A_6[0, 0, 0] : f32 from vector<1x1x1xf32>
    %swap3A = arith.constant 0 : index
    %swap3A_8 = arith.constant 0 : index
    %swap3A_9 = memref.load %arg1[%swap3A, %swap3A_8] : memref<1x1xf32, #tpu.memory_space<smem>>
    memref.store %reduce_sum3A_7, %arg1[%swap3A, %swap3A_8] : memref<1x1xf32, #tpu.memory_space<smem>>
    return
  }
}

</mosaic_0001>

<sc_bundles>
// kernel: kernel.5.cloned.1.call-start
scs
__scs_entry_jumppad:
0x0: {  	(pc) =	sbr.rel $0x88, $3  }
0x1: {  	(tag) =	ssettag $0x0;
	lr =	simm.s32 $0x1  }
0x2: {  	[smem:$0x3F9F] =	sst lr;
	_ =	strace $0xD0000000  }
0x3: {  	_ = 	snop  }
0x4: {  	_ = 	snop  }
0x5: {  	_ = 	snop  }
0x6: {  	_ = 	snop  }
0x7: {  	_ = 	snop  }
__scs_overlays_trampoline_lowered:
0x8: {  	[smem:$0x3FAE] =	sst s0  }
0x9: {  	[smem:$0x3FAF] =	sst s1  }
0xa: {  	[smem:$0x3FB0] =	sst s2  }
0xb: {  	[smem:$0x3FB1] =	sst s3  }
0xc: {  	[smem:$0x3FB2] =	sst s4  }
0xd: {  	[smem:$0x3FB3] =	sst s5  }
0xe: {  	[smem:$0x3FB4] =	sst s6  }
0xf: {  	[smem:$0x3FB5] =	sst s7  }
0x10: {  	[smem:$0x3FB6] =	sst s8  }
0x11: {  	[smem:$0x3FB7] =	sst s9;
	s0 =	simm.s32 @!p0 $0x0  }
0x12: {  	s1 =	sld [smem:$0x3F9D];
	s0 =	simm.s32 @p0 $0x1  }
0x13: {  	[smem:$0x3FB8] =	sst s0;
	s0 =	simm.s32 @!p1 $0x0  }
0x14: {  	s2 =	sld [smem:$0x3F9C];
	s0 =	simm.s32 @p1 $0x1  }
0x15: {  	[smem:$0x3FB9] =	sst s0;
	s0 =	simm.s32 @!p2 $0x0  }
0x16: {  	s3 =	sld [smem:$0x3FDB];
	s0 =	simm.s32 @p2 $0x1  }
0x17: {  	s4 =	simm.s32 $0x1BF5;
	[smem:$0x3FBB] =	sst s0  }
0x18: {  	s0 =	sld [smem:$0x3F9E];
	_ =	swait.ge [sflag:s4], $0x0  }
0x19: {  	s7 =	sld [smem:$0x3F9F]  }
0x1a: {  	s8 =	sadd.s32 $0xFFFFE003, lr  }
0x1b: {  	s9 =	sadd.s32 $0xFFFFFEF7, lr;
	s5 =	simm.s32 $0xFFFFFFFF;
	p2 =	slt.u32 s8, $0xFFFFF086  }
0x1c: {  	p1 =	slt.u32 s9, $0xF7A;
	s5 =	simm.s32 @!p2 $0x0  }
0x1d: {  	s5 =	simm.s32 @p1 $0x1;
	p0 =	seq.s32 s7, s2  }
0x1e: {  	s7 =	smul.u32 @!p0 $0xF7A, s2;
	p2 =	seq.s32 @!p0 s5, $0x0  }
0x1f: {  	s9 =	smul.u32 $0xF7A, s1;
	s8 =	simm.s32 @!p0 $0x1BF5;
	p2 =	por !p2, p0  }
0x20: {  	[sflag:s8] =	ssyncset.s32 @!p0 $0xFFFFF086;
	s6 =	sadd.s32 @!p0 s3, s7;
	s7 =	simm.s32 @!p0 $0x108  }
0x21: {  	s3 =	sadd.s32 s3, s9;
	s6 =	sadd.s32 @!p0 $0x88, s6;
	s7 =	simm.s32 @p2 $0x1082  }
0x22: {  	[simem:s7], [sflag:s8] =	dma.local @!p0 [hbm:s6], $0xF7A  }
0x23: {  	s9 =	sor.u32 $0xD0000000, s2;
	s6 =	simm.s32 $0x108;
	_ =	swait.ge @!p0 [sflag:s8], $0x0  }
0x24: {  	s3 =	sadd.s32 $0x88, s3;
	s6 =	simm.s32 @!p1 $0x1082;
	[sflag:s4] =	ssyncset.s32 $0xFFFFF086  }
0x25: {  	[simem:s6], [sflag:s4] =	dma.local [hbm:s3], $0xF7A  }
0x26: {  	[smem:$0x3F9F] =	sst s1;
	(tag) =	ssettag s2;
	_ =	strace s9  }
0x27: {  	s1 =	sld [smem:$0x3FAF]  }
0x28: {  	s2 =	sld [smem:$0x3FB0]  }
0x29: {  	s4 =	sld [smem:$0x3FB2]  }
0x2a: {  	p0 =	seq.s32 s5, $0x0;
	s5 =	sld [smem:$0x3FB3]  }
0x2b: {  	s6 =	sld [smem:$0x3FB4]  }
0x2c: {  	s7 =	sld [smem:$0x3FB5]  }
0x2d: {  	s3 =	simm.s32 $0x108;
	s8 =	sld [smem:$0x3FB6]  }
0x2e: {  	s3 =	simm.s32 @!p0 $0x1082;
	s9 =	sld [smem:$0x3FB7]  }
0x2f: {  	lr =	sadd.s32 s0, s3;
	s0 =	sld [smem:$0x3FAE]  }
0x30: {  	s3 =	sld [smem:$0x3FB1]  }
0x31: {  	[smem:$0x3FBA] =	sst s10  }
0x32: {  	s10 =	sld [smem:$0x3FB8];
	_ =	sdelay $0x3  }
0x33: {  	p0 =	seq.s32 s10, $0x1;
	s10 =	sld [smem:$0x3FBA];
	_ =	sdelay $0x3  }
0x34: {  	[smem:$0x3FBA] =	sst s10  }
0x35: {  	s10 =	sld [smem:$0x3FB9];
	_ =	sdelay $0x3  }
0x36: {  	p1 =	seq.s32 s10, $0x1;
	s10 =	sld [smem:$0x3FBA];
	_ =	sdelay $0x3  }
0x37: {  	[smem:$0x3FBA] =	sst s10  }
0x38: {  	s10 =	sld [smem:$0x3FBB]  }
0x39: {  	_ = 	snop;
	(pc) =	sbr.ind lr, $3  }
0x3a: {  	_ = 	snop  }
0x3b: {  	_ = 	snop  }
0x3c: {  	p2 =	seq.s32 s10, $0x1;
	s10 =	sld [smem:$0x3FBA]  }
0x3d: {  	_ =	shalt  }
0x3e: {  	_ =	shalt  }
0x3f: {  	_ =	shalt  }
0x40: {  	_ =	shalt  }
0x41: {  	_ =	shalt  }
0x42: {  	_ =	shalt  }
0x43: {  	_ =	shalt  }
0x44: {  	_ =	shalt  }
0x45: {  	_ =	shalt  }
0x46: {  	_ =	shalt  }
0x47: {  	_ =	shalt  }
0x48: {  	_ =	shalt  }
0x49: {  	_ =	shalt  }
0x4a: {  	_ =	shalt  }
0x4b: {  	_ =	shalt  }
0x4c: {  	_ =	shalt  }
0x4d: {  	_ =	shalt  }
0x4e: {  	_ =	shalt  }
0x4f: {  	_ =	shalt  }
0x50: {  	_ =	shalt  }
0x51: {  	_ =	shalt  }
0x52: {  	_ =	shalt  }
0x53: {  	_ =	shalt  }
0x54: {  	_ =	shalt  }
0x55: {  	_ =	shalt  }
0x56: {  	_ =	shalt  }
0x57: {  	_ =	shalt  }
0x58: {  	_ =	shalt  }
0x59: {  	_ =	shalt  }
0x5a: {  	_ =	shalt  }
0x5b: {  	_ =	shalt  }
0x5c: {  	_ =	shalt  }
0x5d: {  	_ =	shalt  }
0x5e: {  	_ =	shalt  }
0x5f: {  	_ =	shalt  }
0x60: {  	_ =	shalt  }
0x61: {  	_ =	shalt  }
0x62: {  	_ =	shalt  }
0x63: {  	_ =	shalt  }
0x64: {  	_ =	shalt  }
0x65: {  	_ =	shalt  }
0x66: {  	_ =	shalt  }
0x67: {  	_ =	shalt  }
0x68: {  	_ =	shalt  }
0x69: {  	_ =	shalt  }
0x6a: {  	_ =	shalt  }
0x6b: {  	_ =	shalt  }
0x6c: {  	_ =	shalt  }
0x6d: {  	_ =	shalt  }
0x6e: {  	_ =	shalt  }
0x6f: {  	_ =	shalt  }
0x70: {  	_ =	shalt  }
0x71: {  	_ =	shalt  }
0x72: {  	_ =	shalt  }
0x73: {  	_ =	shalt  }
0x74: {  	_ =	shalt  }
0x75: {  	_ =	shalt  }
0x76: {  	_ =	shalt  }
0x77: {  	_ =	shalt  }
0x78: {  	_ =	shalt  }
0x79: {  	_ =	shalt  }
0x7a: {  	_ =	shalt  }
0x7b: {  	_ =	shalt  }
0x7c: {  	_ =	shalt  }
0x7d: {  	_ =	shalt  }
0x7e: {  	_ =	shalt  }
0x7f: {  	_ =	shalt  }
0x80: {  	_ =	shalt  }
0x81: {  	_ =	shalt  }
0x82: {  	_ =	shalt  }
0x83: {  	_ =	shalt  }
0x84: {  	_ =	shalt  }
0x85: {  	_ =	shalt  }
0x86: {  	_ =	shalt  }
0x87: {  	_ =	shalt  }
.Lfunc_end0:
.L_simem_size_0:
called_computation_lowered:
.L_overlay_start_0:
0x88: {  	s2 =	sld [smem:$0x3FD9]  }
0x89: {  	s3 =	sld [smem:$0x3FFE];
	_ =	sdelay $0x1  }
0x8a: {  	s1 =	srdreg.scid  }
0x8b: {  	s0 =	sand.u32 $0x1, s1  }
0x8c: {  	s16 =	sshll.u32 s0, $0xA;
	s2 =	sadd.s32 s3, s2  }
0x8d: {  	s2 =	sadd.s32 s2, s16  }
0x8e: {  	[smem:$0x3FC6] =	sst s2  }
0x8f: {  	_ = 	snop  }
0x90: {  	(tm) =	ssettm $0x1  }
0x91: {  	s17 =	sld [smem:$0x3FFB];
	_ =	sdelay $0x3  }
0x92: {  	_ =	strace s17  }
0x93: {  	s2 =	sld [smem:$0x3FFC];
	_ =	sdelay $0x3  }
0x94: {  	_ =	strace s2  }
0x95: {  	s2 =	sld [smem:$0x3FFD];
	_ =	sdelay $0x3  }
0x96: {  	_ =	strace s2  }
0x97: {  	_ =	strace $0x8FFFFFFF  }
0x98: {  	s18 =	sld [smem:$0x3FDB];
	_ =	sdelay $0x1  }
0x99: {  	s19 =	simm.s32 $_scs_section_size  }
0x9a: {  	s4 =	simm.s32 $_size__tile_overlayer_lowered;
	s5 =	simm.s32 $_tile_overlayer_lowered  }
0x9b: {  	s22 =	simm.s32 $0x1BFF;
	s21 =	sshll.u32 s5, $0x1;
	s2 =	sadd.s32 s19, s18  }
0x9c: {  	s6 =	simm.s32 $0x0;
	s20 =	sshll.u32 s4, $0x1;
	s4 =	sadd.s32 s21, s2  }
0x9d: {  	[timem:s6], [sflag:s22] =	dma.local [hbm:s4], s20  }
0x9e: {  	_ =	swait.ge [sflag:s22], s20  }
0x9f: {  	s3 =	ssub.s32 $0x0, s20;
	[sflag:s22] =	ssyncset.done $0x0  }
0xa0: {  	[sflag:s22] =	ssyncadd.s32 s3;
	_ =	sdelay $0x1  }
0xa1: {  	s23 =	simm.s32 $0x1B8B  }
0xa2: {  	_ =	swait.ge [sflag:s23], $0x1  }
0xa3: {  	[sflag:s23] =	ssyncset.done $0x0  }
0xa4: {  	s25 =	simm.s32 $0x1B8E;
	s24 =	sld [smem:$0x3FFE];
	[sflag:s23] =	ssyncadd.s32 $0xFFFFFFFF  }
0xa5: {  	s26 =	simm.s32 $execute0_lowered;
	[smem:$0x3FD2] =	sst s25  }
0xa6: {  	s4 =	sshll.u32 s26, $0x1;
	_ =	strace $0x80000046;
	[dreg:$0x1] =	wrdreg $0xFFFFFFFF  }
0xa7: {  	s28 =	simm.s32 $_size_execute0_lowered;
	s2 =	sadd.s32 s2, s4;
	[dreg:$0x0] =	wrdreg $0x0  }
0xa8: {  	s4 =	sshll.u32 s28, $0x1;
	[dreg:$0x2] =	wrdreg s2  }
0xa9: {  	[dreg:$0x3] =	wrdreg s4  }
0xaa: {  	[dreg:$0x4] =	wrdreg $0xC0  }
0xab: {  	_ =	task [dreg:s6], $0x5FFFF  }
0xac: {  	[dreg:$0x1] =	wrdreg $0xFFFFFFFF  }
0xad: {  	[dreg:$0x0] =	wrdreg $0x60  }
0xae: {  	[dreg:$0x2] =	wrdreg s24  }
0xaf: {  	[dreg:$0x3] =	wrdreg $0x9  }
0xb0: {  	_ =	task.clear_ibuf [dreg:s6], $0x4FFFF;
	_ =	strace $0x90000046  }
0xb1: {  	s29 =	simm.s32 $0x9;
	_ =	strace $0x80000048  }
0xb2: {  	_ =	swait.ge [sflag:s29], $0x1  }
0xb3: {  	[sflag:s29] =	ssyncadd.s32 $0xFFFFFFFF  }
0xb4: {  	_ =	strace $0x90000048  }
0xb5: {  	_ =	sfence  }
0xb6: {  	s30 =	sld [smem:$0x0];
	_ =	sdelay $0x2  }
0xb7: {  	s31 =	sshll.u32 s1, $0xD;
	s1 =	sshrl.u32 s1, $0x2  }
0xb8: {  	s3 =	sand.u32 $0x4000, s31;
	s1 =	sadd.s32 s1, s30  }
0xb9: {  	s0 =	sor.u32 s3, s0;
	s1 =	sshll.u32 s1, $0x11  }
0xba: {  	s0 =	sor.u32 s1, s0  }
0xbb: {  	s0 =	sadd.s32 $0x8F2B, s0  }
0xbc: {  	[sflag:s0] =	ssyncadd.remote.s32 $0x1  }
0xbd: {  	_ =	sfence.sel $0xFFFF  }
0xbe: {  	[dreg:$0x0] =	wrdreg $0xFFFFFFFF;
	(pc) =	sbr.abs _section_cstart, $3  }
0xbf: {  	[dreg:$0x1] =	wrdreg $0xFFFFFFFF  }
0xc0: {  	_ =	task.clear_ibuf [dreg:s6], $0x2FFFF;
	_ =	strace $0x9FFFFFFF  }
0xc1: {  	(tm) =	ssettm $0x7FFFFFFF  }
tec
execute0_lowered:
.L_overlay_start_1:
0x0: {  	(tag) =	ssettag $0x1  }
0x1: {  	s3 =	rddreg [dreg:$0x0]  }
0x2: {  	s0 =	rddreg [dreg:$0x1];
	s2 =	simm.s32 $0x0;
	s1 =	stileid.u32  }
0x3: {  	s4 =	srdreg.scid;
	s12 =	simm.s32 $0x80;
	s13 =	simm.s32 $0x100  }
0x4: {  	s14 =	simm.s32 $0x180;
	s15 =	simm.s32 $0x980;
	s16 =	simm.s32 $0x1180  }
0x5: {  	s17 =	simm.s32 $0x2180;
	s18 =	simm.s32 $0x0;
	[smem:$0x7FF] =	sst s2  }
0x6: {  	s5 =	sshll.u32 s1, $0x4;
	s4 =	sand.u32 $0x1, s4;
	s6 =	sshll.u32 s1, $0x1  }
0x7: {  	s7 =	sadd.s32 $0x1200, s3;
	_ =	strace $0x80000047;
	s8 =	sand.u32 $0x80, s5  }
0x8: {  	v0 =	vimm.s32 $0xFEDCBA9;
	v1 =	vimm.s32 $0x87654321;
	s6 =	sor.u32 s4, s6;
	s4 =	ssub.s32 $0x2, s4;
	s9 =	sshrl.u32 s8, $0x3  }
0x9: {  	v0 =	vunpack.c.l.s4.s8 v0;
	v1 =	vunpack.c.l.s4.s8 v1;
	s10 =	sshll.u32 s6, $0x4;
	s6 =	sshll.u32 s6, $0x8;
	s30 =	sshrl.u32 s4, $0x1  }
0xa: {  	s9 =	sadd.s32 s9, s3;
	s10 =	sadd.s32 s10, s3;
	s28 =	sor.u32 s5, s6  }
0xb: {  	v0 =	vunpack.c.0.s8.s32 v0;
	v1 =	vunpack.c.0.s8.s32 v1;
	s29 =	sor.u32 s8, s6;
	s11 =	ssub.s32 s4, s30;
	s3 =	sand.u32 $0xF80, s28  }
0xc: {  	s5 =	sshrl.u32 s29, $0x3;
	s6 =	sadd.s32 $0xC00, s9;
	s3 =	sshrl.u32 s3, $0x3  }
0xd: {  	s8 =	sadd.s32 $0x1000, s9;
	v0 =	vcombine.low v1, v0;
	s31 =	sor.u32 $0x200, s5;
	s3 =	sadd.s32 s7, s3  }
0xe: {  	s4 =	sadd.s32 s7, s31;
	s7 =	sadd.s32 $0xE00, s9;
	s9 =	sadd.s32 $0x1800, s10  }
0xf: {  	s10 =	smax.u32 s11, $0x1;
	s11 =	simm.s32 $0x1;
	v0 =	vand.u32 $0xF, v0;
	s5 =	sadd.s32 $0x400, s3  }
.LBB2_1:
0x10: {  	[tilespmem:s2], [sflag:$0x1] =	stream.linear.gather [hbm4b:s3+s2], $0x80, $0x38;
	[tilespmem:$0x2200] =	vst v63  }
0x11: {  	_ =	swait.ge [sflag:s11], $0x80  }
0x12: {  	[sflag:s11] =	ssyncset.done $0x0  }
0x13: {  	[sflag:s11] =	ssyncadd.s32 $0xFFFFFF80  }
0x14: {  	[tilespmem:s12], [sflag:$0x1] =	stream.linear.gather [hbm4b:s4+s2], $0x80, $0x38;
	[tilespmem:$0x2200] =	vst v63  }
0x15: {  	_ =	swait.ge [sflag:s11], $0x80  }
0x16: {  	[sflag:s11] =	ssyncset.done $0x0  }
0x17: {  	[sflag:s11] =	ssyncadd.s32 $0xFFFFFF80  }
0x18: {  	[tilespmem:s13], [sflag:$0x1] =	stream.linear.gather [hbm4b:s5+s2], $0x80, $0x38;
	[tilespmem:$0x2200] =	vst v63  }
0x19: {  	_ =	swait.ge [sflag:s11], $0x80  }
0x1a: {  	[sflag:s11] =	ssyncset.done $0x0  }
0x1b: {  	[sflag:s11] =	ssyncadd.s32 $0xFFFFFF80  }
0x1c: {  	[tilespmem:s14], [sflag:$0x1] =	stream.strided.gather [hbm4b:s6+s12], $0x800, s13, s12, $0x38;
	[tilespmem:$0x2200] =	vst v63  }
0x1d: {  	_ =	swait.ge [sflag:s11], $0x800  }
0x1e: {  	[sflag:s11] =	ssyncset.done $0x0  }
0x1f: {  	[sflag:s11] =	ssyncadd.s32 $0xFFFFF800  }
0x20: {  	[tilespmem:s15], [sflag:$0x1] =	stream.strided.gather [hbm4b:s7+s12], $0x800, s13, s12, $0x38;
	[tilespmem:$0x2200] =	vst v63  }
0x21: {  	_ =	swait.ge [sflag:s11], $0x800  }
0x22: {  	[sflag:s11] =	ssyncset.done $0x0  }
0x23: {  	[sflag:s11] =	ssyncadd.s32 $0xFFFFF800  }
0x24: {  	[tilespmem:s16], [sflag:$0x1] =	stream.strided.gather [hbm4b:s8+s12], $0x800, s13, s12, $0x38;
	[tilespmem:$0x2200] =	vst v63  }
0x25: {  	_ =	swait.ge [sflag:s11], $0x800  }
0x26: {  	[sflag:s11] =	ssyncset.done $0x0  }
0x27: {  	s19 =	simm.s32 $0x0;
	[sflag:s11] =	ssyncadd.s32 $0xFFFFF800  }
0x28: {  	v1 =	vld [tilespmem:s19+$0x180]  }
0x29: {  	v2 =	vld [tilespmem:s19+$0x980]  }
0x2a: {  	v3 =	vld [tilespmem:s19+$0x1180];
	_ =	sdelay $0x2  }
0x2b: {  	s20 =	simm.s32 $0x10  }
0x2c: {  	v4 =	vmul.f32 v1, v1;
	v2 =	vmul.f32 v2, v2;
	v1 =	vld [tilespmem:s20+$0x180]  }
0x2d: {  	v5 =	vmul.f32 v3, v3;
	v3 =	vld [tilespmem:s20+$0x980]  }
0x2e: {  	v4 =	vadd.f32 v2, v4  }
0x2f: {  	v2 =	vld [tilespmem:s20+$0x1180]  }
0x30: {  	s21 =	simm.s32 $0x80;
	v4 =	vadd.f32 v5, v4  }
.LBB2_2:
0x31: {  	s22 =	sshra.s32 s21, $0x2;
	p0 =	sne.s32 s21, $0x1FC0  }
.Ltmp0:
0x32: {  	s21 =	sadd.s32 $0x40, s21;
	v5 =	vmul.f32 v1, v1;
	v1 =	vld [tilespmem:s22+$0x180];
	v6 =	vmul.f32 v3, v3;
	[tilespmem:s19+$0x1980] =	vst v4;
	(pc) =	sbr.rel @p0 .LBB2_2-.Ltmp0, $4  }
0x33: {  	s19 =	smov.u32 s20;
	s20 =	smov.u32 s22;
	v3 =	vld [tilespmem:s22+$0x980]  }
0x34: {  	v4 =	vadd.f32 v6, v5;
	v5 =	vmul.f32 v2, v2  }
0x35: {  	v2 =	vld [tilespmem:s20+$0x1180]  }
0x36: {  	v4 =	vadd.f32 v5, v4  }
0x37: {  	_ = 	snop  }
0x38: {  	v1 =	vmul.f32 v1, v1;
	v3 =	vmul.f32 v3, v3;
	_ =	sdelay $0x1  }
0x39: {  	v1 =	vadd.f32 v3, v1;
	v2 =	vmul.f32 v2, v2;
	_ =	sdelay $0x1  }
0x3a: {  	v1 =	vadd.f32 v2, v1  }
0x3b: {  	[tilespmem:s19+$0x1980] =	vst v4  }
0x3c: {  	s19 =	simm.s32 $0x0;
	[tilespmem:s20+$0x1980] =	vst v1  }
.LBB2_4:
0x3d: {  	s20 =	sshll.u32 s19, $0x5  }
0x3e: {  	v5 =	vld [tilespmem:s20+$0x0]  }
0x3f: {  	v6 =	vld [tilespmem:s20+$0x80]  }
0x40: {  	v4 =	vld [tilespmem:s20+$0x100]  }
0x41: {  	v1 =	vld [tilespmem:s20+$0x10]  }
0x42: {  	v2 =	vld [tilespmem:s20+$0x90]  }
0x43: {  	s21 =	simm.s32 $0x0;
	v10 =	vld [tilespmem:s20+$0x110]  }
0x44: {  	v11 =	vld [tilespmem:s21+$0x180]  }
0x45: {  	v14 =	vld [tilespmem:s21+$0x1980]  }
0x46: {  	v12 =	vld [tilespmem:s21+$0x980]  }
0x47: {  	v13 =	vld [tilespmem:s21+$0x1180];
	v9 =	vmul.f32 $-2.000000000e+00, v5;
	v7 =	vmul.f32 $-2.000000000e+00, v6  }
0x48: {  	v8 =	vmul.f32 $-2.000000000e+00, v4;
	v3 =	vmul.f32 $-2.000000000e+00, v1  }
0x49: {  	v1 =	vmul.f32 $-2.000000000e+00, v2;
	v2 =	vmul.f32 $-2.000000000e+00, v10  }
0x4a: {  	v21 =	vperm.xlane v14, v0;
	v15 =	vmul.f32 v11, v9  }
0x4b: {  	v16 =	vmul.f32 v12, v7;
	v17 =	vmul.f32 v11, v3  }
0x4c: {  	v18 =	vmul.f32 v13, v8;
	v19 =	vmul.f32 v12, v1  }
0x4d: {  	v20 =	vmul.f32 v13, v2;
	v11 =	vperm.xlane v11, v0  }
0x4e: {  	v12 =	vperm.xlane v12, v0;
	v13 =	vperm.xlane v13, v0  }
0x4f: {  	v28 =	vperm.xlane v21, v0;
	v22 =	vmul.f32 v11, v9  }
0x50: {  	v23 =	vmul.f32 v12, v7;
	v24 =	vmul.f32 v11, v3  }
0x51: {  	v25 =	vmul.f32 v13, v8;
	v26 =	vmul.f32 v12, v1  }
0x52: {  	v27 =	vmul.f32 v13, v2;
	v11 =	vperm.xlane v11, v0  }
0x53: {  	v10 =	vimm.f32 $1.000000020e+30;
	v12 =	vperm.xlane v12, v0;
	v13 =	vperm.xlane v13, v0  }
0x54: {  	v18 =	vadd.f32 v14, v18;
	v33 =	vperm.xlane v28, v0;
	v29 =	vmul.f32 v11, v9  }
0x55: {  	v14 =	vadd.f32 v14, v20;
	v20 =	vmul.f32 v12, v7;
	v30 =	vmul.f32 v11, v3  }
0x56: {  	v16 =	vadd.f32 v18, v16;
	v18 =	vmul.f32 v13, v8;
	v31 =	vmul.f32 v12, v1  }
0x57: {  	v14 =	vadd.f32 v14, v19;
	v19 =	vmul.f32 v13, v2;
	v32 =	vperm.xlane v11, v0  }
0x58: {  	v25 =	vadd.f32 v21, v25;
	v12 =	vperm.xlane v12, v0;
	v21 =	vadd.f32 v21, v27  }
0x59: {  	v27 =	vperm.xlane v13, v0;
	v34 =	vmul.f32 v32, v9;
	v13 =	vadd.f32 v16, v15  }
0x5a: {  	v11 =	vadd.f32 v14, v17;
	v15 =	vmul.f32 v32, v3;
	v14 =	vadd.f32 v25, v23  }
0x5b: {  	v17 =	vmul.f32 v12, v7;
	v23 =	vmul.f32 v12, v1;
	v21 =	vadd.f32 v21, v26  }
0x5c: {  	v25 =	vmul.f32 v27, v8;
	v26 =	vmul.f32 v27, v2;
	v18 =	vadd.f32 v28, v18  }
0x5d: {  	v32 =	vperm.xlane v32, v0;
	v35 =	vperm.xlane v12, v0;
	v19 =	vadd.f32 v28, v19  }
0x5e: {  	v27 =	vperm.xlane v27, v0;
	v28 =	vperm.xlane v33, v0;
	v16 =	vadd.f32 v14, v22  }
0x5f: {  	v22 =	vmul.f32 v32, v9;
	v36 =	vmul.f32 v32, v3;
	v12 =	vadd.f32 v21, v24  }
0x60: {  	v21 =	vmul.f32 v35, v7;
	v24 =	vmul.f32 v35, v1;
	v14 =	vadd.f32 v18, v20  }
0x61: {  	v20 =	vmul.f32 v27, v8;
	v37 =	vmul.f32 v27, v2;
	v19 =	vadd.f32 v19, v31  }
0x62: {  	v31 =	vperm.xlane v32, v0;
	v55 =	vperm.xlane v35, v0;
	v25 =	vadd.f32 v33, v25  }
0x63: {  	v27 =	vperm.xlane v27, v0;
	v56 =	vperm.xlane v28, v0;
	v26 =	vadd.f32 v33, v26  }
0x64: {  	v57 =	vmul.f32 v31, v9;
	v38 =	vmul.f32 v31, v3;
	v18 =	vadd.f32 v14, v29  }
0x65: {  	v14 =	vadd.f32 v19, v30;
	v29 =	vmul.f32 v55, v7;
	v17 =	vadd.f32 v25, v17  }
0x66: {  	v19 =	vmul.f32 v27, v8;
	v25 =	vmul.f32 v55, v1;
	v23 =	vadd.f32 v26, v23  }
0x67: {  	v26 =	vmul.f32 v27, v2;
	v30 =	vperm.xlane v31, v0;
	v31 =	vadd.f32 v28, v20  }
0x68: {  	v32 =	vperm.xlane v55, v0;
	v39 =	vperm.xlane v56, v0;
	v28 =	vadd.f32 v28, v37  }
0x69: {  	v27 =	vperm.xlane v27, v0;
	v58 =	vmul.f32 v30, v9;
	v20 =	vadd.f32 v17, v34  }
0x6a: {  	v17 =	vadd.f32 v23, v15;
	v15 =	vmul.f32 v30, v3;
	v21 =	vadd.f32 v31, v21  }
0x6b: {  	v23 =	vmul.f32 v32, v7;
	v31 =	vmul.f32 v32, v1;
	v24 =	vadd.f32 v28, v24  }
0x6c: {  	v28 =	vmul.f32 v27, v8;
	v59 =	vmul.f32 v27, v2;
	v40 =	vadd.f32 v56, v19  }
0x6d: {  	v30 =	vperm.xlane v30, v0;
	v32 =	vperm.xlane v32, v0;
	v26 =	vadd.f32 v56, v26  }
0x6e: {  	v27 =	vperm.xlane v27, v0;
	v41 =	vperm.xlane v39, v0;
	v22 =	vadd.f32 v21, v22  }
0x6f: {  	v49 =	vmul.f32 v30, v9;
	v50 =	vmul.f32 v30, v3;
	v19 =	vadd.f32 v24, v36  }
0x70: {  	v42 =	vmul.f32 v32, v7;
	v43 =	vmul.f32 v32, v1;
	v21 =	vadd.f32 v40, v29  }
0x71: {  	v60 =	vmul.f32 v27, v8;
	v61 =	vmul.f32 v27, v2;
	v25 =	vadd.f32 v26, v25  }
0x72: {  	v26 =	vperm.xlane v30, v0;
	v32 =	vperm.xlane v32, v0;
	v28 =	vadd.f32 v39, v28  }
0x73: {  	v27 =	vperm.xlane v27, v0;
	v44 =	vperm.xlane v41, v0;
	v39 =	vadd.f32 v39, v59  }
0x74: {  	v29 =	vmul.f32 v26, v9;
	v30 =	vmul.f32 v26, v3;
	v24 =	vadd.f32 v21, v57  }
0x75: {  	v21 =	vadd.f32 v25, v38;
	v34 =	vmul.f32 v32, v7;
	v23 =	vadd.f32 v28, v23  }
0x76: {  	v25 =	vmul.f32 v27, v8;
	v35 =	vmul.f32 v32, v1;
	v28 =	vadd.f32 v39, v31  }
0x77: {  	v62 =	vmul.f32 v27, v2;
	v45 =	vperm.xlane v26, v0;
	v63 =	vadd.f32 v41, v60  }
0x78: {  	v32 =	vperm.xlane v32, v0;
	v36 =	vperm.xlane v44, v0;
	v40 =	vadd.f32 v41, v61  }
0x79: {  	v27 =	vperm.xlane v27, v0;
	v31 =	vmul.f32 v45, v9;
	v26 =	vadd.f32 v23, v58  }
0x7a: {  	v23 =	vadd.f32 v28, v15;
	v33 =	vmul.f32 v45, v3;
	v15 =	vadd.f32 v63, v42  }
0x7b: {  	v39 =	vmul.f32 v32, v7;
	v37 =	vmul.f32 v32, v1;
	v40 =	vadd.f32 v40, v43  }
0x7c: {  	v43 =	vmul.f32 v27, v8;
	v42 =	vmul.f32 v27, v2;
	v47 =	vadd.f32 v44, v25  }
0x7d: {  	v45 =	vperm.xlane v45, v0;
	v46 =	vperm.xlane v32, v0;
	v48 =	vadd.f32 v44, v62  }
0x7e: {  	v44 =	vperm.xlane v27, v0;
	v41 =	vperm.xlane v36, v0;
	v27 =	vadd.f32 v15, v49  }
0x7f: {  	v32 =	vmul.f32 v45, v9;
	v28 =	vmul.f32 v45, v3;
	v25 =	vadd.f32 v40, v50  }
0x80: {  	s22 =	simm.s32 $0x40;
	s21 =	sor.u32 $0x10, s20;
	v40 =	vmul.f32 v46, v7;
	v38 =	vmul.f32 v46, v1;
	v15 =	vimm.f32 $1.000000020e+30  }
.LBB2_5:
0x81: {  	p0 =	sne.s32 s22, $0x1FC0;
	v34 =	vadd.f32 v47, v34;
	v47 =	vmul.f32 v44, v8;
	v49 =	vmul.f32 v44, v2  }
0x82: {  	v35 =	vadd.f32 v48, v35;
	v45 =	vperm.xlane v45, v0;
	v46 =	vperm.xlane v46, v0  }
0x83: {  	v43 =	vadd.f32 v36, v43;
	v44 =	vperm.xlane v44, v0;
	v48 =	vperm.xlane v41, v0  }
0x84: {  	v36 =	vadd.f32 v36, v42;
	v42 =	vmul.f32 v45, v9;
	v50 =	vmul.f32 v45, v3  }
0x85: {  	v29 =	vadd.f32 v34, v29;
	v30 =	vadd.f32 v35, v30;
	v34 =	vmul.f32 v46, v7  }
0x86: {  	v35 =	vadd.f32 v43, v39;
	v39 =	vmul.f32 v44, v8;
	v43 =	vmul.f32 v46, v1  }
0x87: {  	v36 =	vadd.f32 v36, v37;
	v37 =	vmul.f32 v44, v2;
	v45 =	vperm.xlane v45, v0  }
0x88: {  	v47 =	vadd.f32 v41, v47;
	v46 =	vperm.xlane v46, v0;
	v51 =	vperm.xlane v48, v0  }
0x89: {  	v41 =	vadd.f32 v41, v49;
	v44 =	vperm.xlane v44, v0;
	v49 =	vmul.f32 v45, v9  }
0x8a: {  	v31 =	vadd.f32 v35, v31;
	v33 =	vadd.f32 v36, v33;
	v35 =	vmul.f32 v45, v3  }
0x8b: {  	v36 =	vadd.f32 v47, v40;
	v40 =	vmul.f32 v46, v7;
	v47 =	vmul.f32 v46, v1  }
0x8c: {  	v38 =	vadd.f32 v41, v38;
	v41 =	vmul.f32 v44, v8;
	v45 =	vperm.xlane v45, v0  }
0x8d: {  	v39 =	vadd.f32 v48, v39;
	v52 =	vmul.f32 v44, v2;
	v46 =	vperm.xlane v46, v0  }
0x8e: {  	v37 =	vadd.f32 v48, v37;
	v44 =	vperm.xlane v44, v0;
	v48 =	vperm.xlane v51, v0  }
0x8f: {  	v32 =	vadd.f32 v36, v32;
	v36 =	vmul.f32 v45, v9;
	v53 =	vmul.f32 v45, v3  }
0x90: {  	v28 =	vadd.f32 v38, v28;
	v38 =	vmul.f32 v46, v7;
	v54 =	vmul.f32 v46, v1  }
0x91: {  	v34 =	vadd.f32 v39, v34;
	v39 =	vmul.f32 v44, v8;
	v45 =	vperm.xlane v45, v0  }
0x92: {  	v37 =	vadd.f32 v37, v43;
	v43 =	vmul.f32 v44, v2;
	v46 =	vperm.xlane v46, v0  }
0x93: {  	v41 =	vadd.f32 v51, v41;
	v44 =	vperm.xlane v44, v0;
	v55 =	vperm.xlane v48, v0  }
0x94: {  	v51 =	vadd.f32 v51, v52;
	v52 =	vmul.f32 v45, v9;
	v56 =	vmul.f32 v45, v3  }
0x95: {  	v34 =	vadd.f32 v34, v42;
	v37 =	vadd.f32 v37, v50;
	v42 =	vperm.xlane v45, v0  }
0x96: {  	v40 =	vadd.f32 v41, v40;
	v41 =	vmul.f32 v46, v7;
	v45 =	vmul.f32 v46, v1  }
0x97: {  	v47 =	vadd.f32 v51, v47;
	v46 =	vperm.xlane v46, v0;
	v50 =	vperm.xlane v55, v0  }
0x98: {  	v39 =	vadd.f32 v48, v39;
	v51 =	vmul.f32 v44, v8;
	v57 =	vmul.f32 v44, v2  }
0x99: {  	v43 =	vadd.f32 v48, v43;
	v44 =	vperm.xlane v44, v0;
	v48 =	vmul.f32 v42, v9  }
0x9a: {  	v40 =	vadd.f32 v40, v49;
	v35 =	vadd.f32 v47, v35;
	v42 =	vmul.f32 v42, v3  }
0x9b: {  	v38 =	vadd.f32 v39, v38;
	v39 =	vadd.f32 v43, v54;
	v43 =	vmul.f32 v46, v7  }
0x9c: {  	v47 =	vadd.f32 v55, v51;
	v49 =	vadd.f32 v55, v57;
	v46 =	vmul.f32 v46, v1  }
0x9d: {  	v10 =	vmin.f32 v10, v13;
	v11 =	vmin.f32 v15, v11;
	v13 =	vmul.f32 v44, v8  }
0x9e: {  	v10 =	vmin.f32 v10, v16;
	v11 =	vmin.f32 v11, v12;
	v12 =	vmul.f32 v44, v2  }
0x9f: {  	v10 =	vmin.f32 v10, v18;
	v11 =	vmin.f32 v11, v14;
	v14 =	vadd.f32 v38, v36  }
0xa0: {  	v10 =	vmin.f32 v10, v20;
	v11 =	vmin.f32 v11, v17;
	v15 =	vadd.f32 v39, v53  }
0xa1: {  	v10 =	vmin.f32 v10, v22;
	v11 =	vmin.f32 v11, v19;
	v16 =	vadd.f32 v47, v41  }
0xa2: {  	v10 =	vmin.f32 v10, v24;
	v11 =	vmin.f32 v11, v21;
	v17 =	vadd.f32 v49, v45  }
0xa3: {  	v10 =	vmin.f32 v10, v26;
	v11 =	vmin.f32 v11, v23;
	v13 =	vadd.f32 v50, v13  }
0xa4: {  	v10 =	vmin.f32 v10, v27;
	v11 =	vmin.f32 v11, v25;
	v12 =	vadd.f32 v50, v12  }
0xa5: {  	v10 =	vmin.f32 v10, v29;
	v11 =	vmin.f32 v11, v30;
	v16 =	vadd.f32 v16, v52  }
0xa6: {  	s23 =	sshra.s32 s22, $0x2;
	v10 =	vmin.f32 v10, v31;
	v11 =	vmin.f32 v11, v33;
	v17 =	vadd.f32 v17, v56  }
0xa7: {  	v10 =	vmin.f32 v10, v32;
	v11 =	vmin.f32 v11, v28;
	v13 =	vadd.f32 v13, v43;
	v18 =	vld [tilespmem:s23+$0x180]  }
0xa8: {  	v10 =	vmin.f32 v10, v34;
	v11 =	vmin.f32 v11, v37;
	v12 =	vadd.f32 v12, v46;
	v19 =	vld [tilespmem:s23+$0x980]  }
0xa9: {  	v10 =	vmin.f32 v10, v40;
	v11 =	vmin.f32 v11, v35;
	v13 =	vadd.f32 v13, v48;
	v20 =	vld [tilespmem:s23+$0x1180]  }
0xaa: {  	v10 =	vmin.f32 v10, v14;
	v11 =	vmin.f32 v11, v15;
	v12 =	vadd.f32 v12, v42  }
0xab: {  	v10 =	vmin.f32 v10, v16;
	v11 =	vmin.f32 v11, v17;
	v14 =	vld [tilespmem:s23+$0x1980]  }
0xac: {  	v10 =	vmin.f32 v10, v13;
	v15 =	vmin.f32 v11, v12;
	v16 =	vmul.f32 v18, v9  }
0xad: {  	v12 =	vmul.f32 v18, v3;
	v11 =	vmul.f32 v19, v7  }
0xae: {  	v17 =	vmul.f32 v19, v1;
	v13 =	vmul.f32 v20, v8  }
0xaf: {  	v18 =	vperm.xlane v18, v0;
	v21 =	vmul.f32 v20, v2  }
0xb0: {  	v19 =	vperm.xlane v19, v0;
	v22 =	vperm.xlane v14, v0  }
0xb1: {  	v20 =	vperm.xlane v20, v0;
	v23 =	vmul.f32 v18, v9  }
0xb2: {  	v25 =	vmul.f32 v18, v3;
	v24 =	vmul.f32 v19, v7  }
0xb3: {  	v27 =	vmul.f32 v19, v1;
	v26 =	vmul.f32 v20, v8  }
0xb4: {  	v18 =	vperm.xlane v18, v0;
	v28 =	vmul.f32 v20, v2  }
0xb5: {  	v19 =	vperm.xlane v19, v0;
	v29 =	vperm.xlane v22, v0  }
0xb6: {  	v13 =	vadd.f32 v14, v13;
	v20 =	vperm.xlane v20, v0;
	v30 =	vmul.f32 v18, v9  }
0xb7: {  	v14 =	vadd.f32 v14, v21;
	v31 =	vmul.f32 v18, v3;
	v21 =	vmul.f32 v19, v7  }
0xb8: {  	v33 =	vmul.f32 v19, v1;
	v11 =	vadd.f32 v13, v11;
	v32 =	vmul.f32 v20, v8  }
0xb9: {  	v18 =	vperm.xlane v18, v0;
	v14 =	vadd.f32 v14, v17;
	v17 =	vmul.f32 v20, v2  }
0xba: {  	v19 =	vperm.xlane v19, v0;
	v26 =	vadd.f32 v22, v26;
	v34 =	vperm.xlane v29, v0  }
0xbb: {  	v22 =	vadd.f32 v22, v28;
	v20 =	vperm.xlane v20, v0;
	v28 =	vmul.f32 v18, v9  }
0xbc: {  	v35 =	vmul.f32 v18, v3;
	v13 =	vadd.f32 v11, v16;
	v11 =	vadd.f32 v14, v12  }
0xbd: {  	v12 =	vadd.f32 v26, v24;
	v24 =	vmul.f32 v19, v7;
	v26 =	vmul.f32 v19, v1  }
0xbe: {  	v14 =	vadd.f32 v22, v27;
	v22 =	vmul.f32 v20, v8;
	v27 =	vmul.f32 v20, v2  }
0xbf: {  	v18 =	vperm.xlane v18, v0;
	v32 =	vadd.f32 v29, v32;
	v19 =	vperm.xlane v19, v0  }
0xc0: {  	v17 =	vadd.f32 v29, v17;
	v20 =	vperm.xlane v20, v0;
	v29 =	vperm.xlane v34, v0  }
0xc1: {  	v36 =	vmul.f32 v18, v3;
	v16 =	vadd.f32 v12, v23;
	v23 =	vmul.f32 v18, v9  }
0xc2: {  	v12 =	vadd.f32 v14, v25;
	v25 =	vmul.f32 v19, v7;
	v37 =	vmul.f32 v19, v1  }
0xc3: {  	v14 =	vadd.f32 v32, v21;
	v21 =	vmul.f32 v20, v8;
	v32 =	vmul.f32 v20, v2  }
0xc4: {  	v17 =	vadd.f32 v17, v33;
	v33 =	vperm.xlane v18, v0;
	v19 =	vperm.xlane v19, v0  }
0xc5: {  	v22 =	vadd.f32 v34, v22;
	v20 =	vperm.xlane v20, v0;
	v38 =	vperm.xlane v29, v0  }
0xc6: {  	v27 =	vadd.f32 v34, v27;
	v34 =	vmul.f32 v33, v9;
	v39 =	vmul.f32 v33, v3  }
0xc7: {  	v18 =	vadd.f32 v14, v30;
	v14 =	vadd.f32 v17, v31;
	v30 =	vmul.f32 v19, v7  }
0xc8: {  	v17 =	vadd.f32 v22, v24;
	v22 =	vmul.f32 v20, v8;
	v24 =	vmul.f32 v19, v1  }
0xc9: {  	v26 =	vadd.f32 v27, v26;
	v27 =	vmul.f32 v20, v2;
	v31 =	vperm.xlane v33, v0  }
0xca: {  	v21 =	vadd.f32 v29, v21;
	v19 =	vperm.xlane v19, v0;
	v33 =	vperm.xlane v38, v0  }
0xcb: {  	v29 =	vadd.f32 v29, v32;
	v32 =	vperm.xlane v20, v0;
	v40 =	vmul.f32 v31, v9  }
0xcc: {  	v20 =	vadd.f32 v17, v28;
	v17 =	vadd.f32 v26, v35;
	v28 =	vmul.f32 v31, v3  }
0xcd: {  	v21 =	vadd.f32 v21, v25;
	v25 =	vmul.f32 v19, v7;
	v26 =	vmul.f32 v19, v1  }
0xce: {  	v29 =	vadd.f32 v29, v37;
	v35 =	vmul.f32 v32, v8;
	v37 =	vmul.f32 v32, v2  }
0xcf: {  	v41 =	vadd.f32 v38, v22;
	v31 =	vperm.xlane v31, v0;
	v42 =	vperm.xlane v19, v0  }
0xd0: {  	v27 =	vadd.f32 v38, v27;
	v32 =	vperm.xlane v32, v0;
	v38 =	vperm.xlane v33, v0  }
0xd1: {  	v22 =	vadd.f32 v21, v23;
	v49 =	vmul.f32 v31, v9;
	v50 =	vmul.f32 v31, v3  }
0xd2: {  	v19 =	vadd.f32 v29, v36;
	v43 =	vmul.f32 v42, v7;
	v44 =	vmul.f32 v42, v1  }
0xd3: {  	v21 =	vadd.f32 v41, v30;
	v23 =	vmul.f32 v32, v8;
	v41 =	vmul.f32 v32, v2  }
0xd4: {  	v27 =	vadd.f32 v27, v24;
	v31 =	vperm.xlane v31, v0;
	v36 =	vperm.xlane v42, v0  }
0xd5: {  	v35 =	vadd.f32 v33, v35;
	v32 =	vperm.xlane v32, v0;
	v48 =	vperm.xlane v38, v0  }
0xd6: {  	v33 =	vadd.f32 v33, v37;
	v29 =	vmul.f32 v31, v9;
	v30 =	vmul.f32 v31, v3  }
0xd7: {  	v24 =	vadd.f32 v21, v34;
	v21 =	vadd.f32 v27, v39;
	v34 =	vmul.f32 v36, v7  }
0xd8: {  	v25 =	vadd.f32 v35, v25;
	v27 =	vmul.f32 v32, v8;
	v35 =	vmul.f32 v36, v1  }
0xd9: {  	v33 =	vadd.f32 v33, v26;
	v51 =	vmul.f32 v32, v2;
	v45 =	vperm.xlane v31, v0  }
0xda: {  	v37 =	vadd.f32 v38, v23;
	v46 =	vperm.xlane v36, v0;
	v36 =	vperm.xlane v48, v0  }
0xdb: {  	v38 =	vadd.f32 v38, v41;
	v32 =	vperm.xlane v32, v0;
	v31 =	vmul.f32 v45, v9  }
0xdc: {  	v26 =	vadd.f32 v25, v40;
	v23 =	vadd.f32 v33, v28;
	v33 =	vmul.f32 v45, v3  }
0xdd: {  	v25 =	vadd.f32 v37, v43;
	v39 =	vmul.f32 v46, v7;
	v37 =	vmul.f32 v46, v1  }
.Ltmp1:
0xde: {  	v38 =	vadd.f32 v38, v44;
	v43 =	vmul.f32 v32, v8;
	v42 =	vmul.f32 v32, v2;
	(pc) =	sbr.rel @p0 .LBB2_5-.Ltmp1, $4  }
0xdf: {  	v47 =	vadd.f32 v48, v27;
	v45 =	vperm.xlane v45, v0;
	v46 =	vperm.xlane v46, v0  }
0xe0: {  	v48 =	vadd.f32 v48, v51;
	v44 =	vperm.xlane v32, v0;
	v41 =	vperm.xlane v36, v0  }
0xe1: {  	v27 =	vadd.f32 v25, v49;
	v32 =	vmul.f32 v45, v9;
	v28 =	vmul.f32 v45, v3  }
0xe2: {  	s22 =	sadd.s32 $0x40, s22;
	v25 =	vadd.f32 v38, v50;
	v40 =	vmul.f32 v46, v7;
	v38 =	vmul.f32 v46, v1  }
0xe3: {  	v34 =	vadd.f32 v47, v34;
	v54 =	vmul.f32 v44, v8  }
0xe4: {  	v49 =	vmul.f32 v44, v2;
	v35 =	vadd.f32 v48, v35;
	v45 =	vperm.xlane v45, v0  }
0xe5: {  	v46 =	vperm.xlane v46, v0;
	v43 =	vadd.f32 v36, v43;
	v55 =	vperm.xlane v44, v0  }
0xe6: {  	v48 =	vperm.xlane v41, v0;
	v56 =	vadd.f32 v36, v42;
	v5 =	vmul.f32 v5, v5  }
0xe7: {  	v10 =	vmin.f32 v10, v13;
	v6 =	vmul.f32 v6, v6;
	v4 =	vmul.f32 v4, v4  }
0xe8: {  	v10 =	vmin.f32 v10, v16;
	v42 =	vmul.f32 v45, v9;
	v50 =	vmul.f32 v45, v3  }
0xe9: {  	v29 =	vadd.f32 v34, v29;
	v30 =	vadd.f32 v35, v30;
	v57 =	vmul.f32 v46, v7  }
0xea: {  	v58 =	vadd.f32 v43, v39;
	v59 =	vmul.f32 v55, v8;
	v43 =	vmul.f32 v46, v1  }
0xeb: {  	v36 =	vadd.f32 v56, v37;
	v61 =	vmul.f32 v55, v2;
	v45 =	vperm.xlane v45, v0  }
0xec: {  	v47 =	vadd.f32 v41, v54;
	v46 =	vperm.xlane v46, v0;
	v51 =	vperm.xlane v48, v0  }
0xed: {  	v62 =	vadd.f32 v41, v49;
	v44 =	vperm.xlane v55, v0;
	v10 =	vmin.f32 v10, v18  }
0xee: {  	v5 =	vadd.f32 v6, v5;
	v10 =	vmin.f32 v10, v20;
	v49 =	vmul.f32 v45, v9  }
0xef: {  	v31 =	vadd.f32 v58, v31;
	v33 =	vadd.f32 v36, v33;
	v35 =	vmul.f32 v45, v3  }
0xf0: {  	v63 =	vmul.f32 v46, v7;
	v40 =	vadd.f32 v47, v40;
	v47 =	vmul.f32 v46, v1  }
0xf1: {  	v52 =	vmul.f32 v44, v8;
	v38 =	vadd.f32 v62, v38;
	v60 =	vperm.xlane v45, v0  }
0xf2: {  	v45 =	vmul.f32 v44, v2;
	v39 =	vadd.f32 v48, v59;
	v46 =	vperm.xlane v46, v0  }
0xf3: {  	v44 =	vperm.xlane v44, v0;
	v37 =	vadd.f32 v48, v61;
	v10 =	vmin.f32 v10, v22  }
0xf4: {  	v48 =	vperm.xlane v51, v0;
	v10 =	vmin.f32 v10, v24;
	v53 =	vmul.f32 v60, v9  }
0xf5: {  	v32 =	vadd.f32 v40, v32;
	v40 =	vmul.f32 v60, v3;
	v54 =	vmul.f32 v46, v7  }
0xf6: {  	v34 =	vadd.f32 v39, v57;
	v61 =	vmul.f32 v44, v8;
	v41 =	vperm.xlane v60, v0  }
0xf7: {  	v55 =	vperm.xlane v46, v0;
	v52 =	vadd.f32 v51, v52;
	v10 =	vmin.f32 v10, v26  }
0xf8: {  	v56 =	vperm.xlane v44, v0;
	v57 =	vperm.xlane v48, v0;
	v10 =	vmin.f32 v10, v27  }
0xf9: {  	v13 =	vmul.f32 v41, v9;
	v34 =	vadd.f32 v34, v42;
	v42 =	vperm.xlane v41, v0  }
0xfa: {  	v62 =	vadd.f32 v52, v63;
	v18 =	vperm.xlane v55, v0;
	v59 =	vperm.xlane v56, v0  }
0xfb: {  	v52 =	vperm.xlane v57, v0;
	v63 =	vadd.f32 v48, v61;
	v58 =	vmul.f32 v56, v8  }
0xfc: {  	v10 =	vmin.f32 v10, v29;
	v16 =	vadd.f32 v62, v49;
	v62 =	vmul.f32 v59, v8  }
0xfd: {  	v36 =	vmul.f32 v55, v7;
	v10 =	vmin.f32 v10, v31;
	v61 =	vadd.f32 v57, v58  }
0xfe: {  	v20 =	vadd.f32 v63, v54;
	v63 =	vmul.f32 v18, v7;
	v8 =	vadd.f32 v52, v62  }
0xff: {  	v60 =	vmul.f32 v42, v9;
	v10 =	vmin.f32 v10, v32;
	v24 =	vadd.f32 v61, v36  }
0x100: {  	v34 =	vmin.f32 v10, v34;
	v20 =	vadd.f32 v20, v53;
	v7 =	vadd.f32 v8, v63  }
0x101: {  	v13 =	vadd.f32 v24, v13;
	v8 =	vmin.f32 v34, v16  }
0x102: {  	v4 =	vadd.f32 v4, v5;
	v8 =	vmin.f32 v8, v20;
	v7 =	vadd.f32 v7, v60  }
0x103: {  	v39 =	vadd.f32 v37, v43;
	v43 =	vmin.f32 v15, v11;
	v8 =	vmin.f32 v8, v13  }
0x104: {  	v45 =	vadd.f32 v51, v45;
	v10 =	vmin.f32 v43, v12;
	v7 =	vmin.f32 v8, v7  }
0x105: {  	v5 =	vadd.f32 v39, v50;
	v10 =	vmin.f32 v10, v14;
	v4 =	vadd.f32 v7, v4  }
0x106: {  	v51 =	vmul.f32 v55, v1;
	v49 =	vmul.f32 v41, v3;
	v10 =	vmin.f32 v10, v17  }
0x107: {  	v54 =	vmul.f32 v56, v2;
	v3 =	vmul.f32 v42, v3;
	v10 =	vmin.f32 v10, v19;
	[tilespmem:s20+$0x2180] =	vst v4  }
0x108: {  	v36 =	vadd.f32 v38, v28;
	v38 =	vmul.f32 v46, v1;
	v10 =	vmin.f32 v10, v21;
	v53 =	vld [tilespmem:s21+$0x0]  }
0x109: {  	v46 =	vmul.f32 v44, v2;
	v58 =	vadd.f32 v57, v54;
	v56 =	vmin.f32 v10, v23;
	v55 =	vld [tilespmem:s21+$0x80]  }
0x10a: {  	v2 =	vmul.f32 v59, v2;
	v9 =	vmin.f32 v56, v25;
	v8 =	vadd.f32 v45, v47  }
0x10b: {  	v1 =	vmul.f32 v18, v1;
	v9 =	vmin.f32 v9, v30;
	v7 =	vadd.f32 v48, v46;
	v59 =	vld [tilespmem:s21+$0x100]  }
0x10c: {  	v2 =	vadd.f32 v52, v2;
	v9 =	vmin.f32 v9, v33;
	v8 =	vadd.f32 v8, v35  }
0x10d: {  	v6 =	vmin.f32 v9, v36;
	v7 =	vadd.f32 v7, v38;
	v4 =	vadd.f32 v58, v51  }
0x10e: {  	v5 =	vmin.f32 v6, v5;
	v60 =	vmul.f32 v53, v53;
	v61 =	vmul.f32 v55, v55  }
0x10f: {  	v1 =	vadd.f32 v2, v1;
	v2 =	vmin.f32 v5, v8;
	v7 =	vadd.f32 v7, v40  }
0x110: {  	s19 =	sadd.s32 $0x1, s19;
	v4 =	vadd.f32 v4, v49;
	v63 =	vmul.f32 v59, v59;
	v62 =	vadd.f32 v61, v60  }
0x111: {  	p0 =	sne.s32 s19, $0x4;
	v1 =	vadd.f32 v1, v3;
	v2 =	vmin.f32 v2, v7  }
.Ltmp2:
0x112: {  	v2 =	vmin.f32 v2, v4;
	v3 =	vadd.f32 v63, v62;
	(pc) =	sbr.rel @p0 .LBB2_4-.Ltmp2, $3  }
0x113: {  	v1 =	vmin.f32 v2, v1  }
0x114: {  	v1 =	vadd.f32 v3, v1;
	_ =	sdelay $0x1  }
0x115: {  	[tilespmem:s21+$0x2180] =	vst v1  }
0x116: {  	s18 =	sadd.s32 $0x1, s18  }
0x117: {  	p0 =	sne.s32 s18, s10  }
.Ltmp3:
0x118: {  	_ = 	snop;
	(pc) =	sbr.rel @p0 .LBB2_1-.Ltmp3, $4  }
0x119: {  	[hbm4b:s9+s2] =	stream.linear.scatter [tilespmem:s17], [sflag:$0x1], $0x80, $0x38;
	[tilespmem:$0x2200] =	vst v63  }
0x11a: {  	_ =	swait.ge [sflag:s11], $0x80  }
0x11b: {  	[sflag:s11] =	ssyncset.done $0x0  }
0x11c: {  	[sflag:s11] =	ssyncadd.s32 $0xFFFFFF80  }
0x11d: {  	_ =	sfence.sel $0x180000  }
0x11e: {  	[bflag:$0x0] =	sbarrier.arrive $0xFFFF  }
0x11f: {  	p0 =	sne.s32 s1, $0x0;
	_ =	strace $0x90000047  }
0x120: {  	s0 =	sadd.s32 @!p0 $0x100000, s0;
	[bflag:$0x2] =	sbarrier.arrive $0xFFFF  }
0x121: {  	[sflag:s0] =	ssyncadd.tile.s32 @!p0 $0x1;
	_ =	shalt  }
.Lfunc_end2:
_tile_overlayer_lowered:
.L_overlay_start_2:
0x122: {  	(tag) =	ssettag $0x2  }
0x123: {  	s0 =	rddreg [dreg:$0x0];
	s2 =	stileid.u32  }
0x124: {  	s1 =	rddreg [dreg:$0x1];
	p0 =	sne.s32 s2, $0x0  }
0x125: {  	s3 =	rddreg [dreg:$0x2];
	[bflag:$0x3] =	sbarrier.arrive $0xFFFF;
	s2 =	simm.s32 @!p0 $0x1C01  }
0x126: {  	[timem:s3], [sflag:s2] =	dma.local @!p0 [hbm:s0], s1  }
0x127: {  	s0 =	simm.s32 @!p0 $0x1  }
0x128: {  	_ =	swait.ge @!p0 [sflag:s0], s1  }
0x129: {  	s1 =	ssub.s32 @!p0 $0x0, s1;
	[sflag:s0] =	ssyncset.done @!p0 $0x0  }
0x12a: {  	[sflag:s0] =	ssyncadd.s32 @!p0 s1  }
0x12b: {  	[bflag:$0x3] =	sbarrier.arrive $0xFFFF  }
0x12c: {  	_ =	shalt  }

</sc_bundles>
